<compile_context>
chip_gen: v7x
topology: tpu7x:2x2x1
jax: 0.10.2.dev20260603
libtpu: 0.0.44.dev20260713+nightly
codegen_flags: <defaults>
</compile_context>

<pallas_src>
import functools
import math

import jax
import jax.numpy as jnp
from jax import lax
from jax.experimental import pallas as pl
from jax.experimental.pallas import tpu as pltpu
from jax.experimental.pallas import tpu_sc as plsc

D = 768
E = 8
H = 192
N = 8192
T = 512
NB = -(-N // T) + E
CAP = NB * T
NW = 32
TPW = N // NW
CHUNK = 128
NCH = TPW // CHUNK


def _router_body(x_ref, wr_ref, br_ref, eid_ref):
    logits = lax.dot_general(
        x_ref[...].astype(jnp.bfloat16), wr_ref[...].astype(jnp.bfloat16),
        (((1,), (0,)), ((), ())),
        preferred_element_type=jnp.float32) + br_ref[...]
    mx = jnp.max(logits, axis=1, keepdims=True)
    cand = jnp.where(logits == mx,
                     lax.broadcasted_iota(jnp.int32, logits.shape, 1), E)
    am = jnp.min(cand, axis=1)
    eid_ref[...] = am.reshape(eid_ref.shape)


def _router(xf, Wr, br):
    tb = 2048
    return pl.pallas_call(
        _router_body,
        grid=(N // tb,),
        in_specs=[
            pl.BlockSpec((tb, D), lambda i: (i, 0)),
            pl.BlockSpec((D, E), lambda i: (0, 0)),
            pl.BlockSpec((1, E), lambda i: (0, 0)),
        ],
        out_specs=pl.BlockSpec((tb // 128, 128), lambda i: (i, 0)),
        out_shape=jax.ShapeDtypeStruct((N // 128, 128), jnp.int32),
    )(xf, Wr, br.reshape(1, E))


def _rank_body(eid_ref, pos_ref, blk_ref):
    eid = eid_ref[...]
    rows, cols = eid.shape
    ri = lax.broadcasted_iota(jnp.int32, (cols, cols), 0)
    ci = lax.broadcasted_iota(jnp.int32, (cols, cols), 1)
    lt_incl = (ri <= ci).astype(jnp.float32)
    r2 = lax.broadcasted_iota(jnp.int32, (rows, rows), 0)
    c2 = lax.broadcasted_iota(jnp.int32, (rows, rows), 1)
    lt_excl = (c2 < r2).astype(jnp.float32)

    def mm(a, b):
        return lax.dot_general(a, b, (((1,), (0,)), ((), ())),
                               preferred_element_type=jnp.float32)

    pos = jnp.zeros((rows, cols), jnp.float32)
    off = jnp.zeros((1, 1), jnp.float32)
    ends = []
    for e in range(E):
        m = (eid == e).astype(jnp.float32)
        rc = mm(m, lt_incl)
        rt = jnp.sum(m, axis=1, keepdims=True)
        co = mm(lt_excl, rt)
        rank = co + rc - m
        pos = pos + m * (off + rank)
        cnt = jnp.sum(rt, axis=0, keepdims=True)
        off = off + jnp.ceil(cnt / T) * T
        ends.append(off)
    pos_ref[...] = pos.astype(jnp.int32)

    ends_cat = jnp.concatenate(ends, axis=1)
    bstart = (lax.broadcasted_iota(jnp.int32, (NB, 1), 0) * T).astype(jnp.float32)
    be = jnp.sum((ends_cat <= bstart).astype(jnp.int32), axis=1, keepdims=True)
    blk_ref[...] = jnp.where(bstart < off, jnp.minimum(be, E - 1), -1)


def _rank(eid2d):
    return pl.pallas_call(
        _rank_body,
        out_shape=(jax.ShapeDtypeStruct((N // 128, 128), jnp.int32),
                   jax.ShapeDtypeStruct((NB, 1), jnp.int32)),
    )(eid2d)


def _make_sc_dispatch():
    mesh = plsc.VectorSubcoreMesh(core_axis_name="c", subcore_axis_name="s",
                                  num_cores=2, num_subcores=16)

    @functools.partial(
        pl.kernel,
        out_type=jax.ShapeDtypeStruct((CAP, D), jnp.float32),
        mesh=mesh,
        scratch_types=[
            [pltpu.VMEM((CHUNK,), jnp.int32) for _ in range(NCH)],
            pltpu.VMEM((CHUNK, D), jnp.float32),
            pltpu.SemaphoreType.DMA,
        ],
    )
    def dispatch(pos_hbm, x_hbm, xs_hbm, idxs, rows_v, sem):
        wid = lax.axis_index("s") * 2 + lax.axis_index("c")
        base = wid * TPW
        for k in range(NCH):
            cb = base + k * CHUNK
            pltpu.sync_copy(pos_hbm.at[pl.ds(cb, CHUNK)], idxs[k])
            pltpu.sync_copy(x_hbm.at[pl.ds(cb, CHUNK)], rows_v)
            pltpu.async_copy(rows_v, xs_hbm.at[idxs[k]], sem).wait()

    return dispatch


def _expert_body(be_ref, xs_ref, w1_ref, b1_ref, w2_ref, b2_ref, ys_ref):
    e = be_ref[pl.program_id(0)]

    @pl.when(e >= 0)
    def _():
        w1 = w1_ref[e]
        w2 = w2_ref[e]
        b1 = b1_ref[e]
        b2 = b2_ref[e]
        ST = T // 4
        for s in range(T // ST):
            xb = xs_ref[pl.ds(s * ST, ST), :]
            h = jnp.dot(xb.astype(jnp.bfloat16), w1,
                        preferred_element_type=jnp.float32) + b1
            g = h * 0.5 * (1.0 + lax.erf(h * (1.0 / math.sqrt(2.0))))
            y = jnp.dot(g.astype(jnp.bfloat16), w2,
                        preferred_element_type=jnp.float32)
            ys_ref[pl.ds(s * ST, ST), :] = xb + y + b2


def _experts(blk_exp, xs, W1, b1, W2, b2):
    grid_spec = pltpu.PrefetchScalarGridSpec(
        num_scalar_prefetch=1,
        grid=(NB,),
        in_specs=[
            pl.BlockSpec((T, D), lambda i, be: (i, 0)),
            pl.BlockSpec((E, D, H), lambda i, be: (0, 0, 0)),
            pl.BlockSpec((E, 1, H), lambda i, be: (0, 0, 0)),
            pl.BlockSpec((E, H, D), lambda i, be: (0, 0, 0)),
            pl.BlockSpec((E, 1, D), lambda i, be: (0, 0, 0)),
        ],
        out_specs=pl.BlockSpec((T, D), lambda i, be: (i, 0)),
    )
    return pl.pallas_call(
        _expert_body,
        grid_spec=grid_spec,
        out_shape=jax.ShapeDtypeStruct((CAP, D), jnp.float32),
    )(blk_exp, xs, W1.astype(jnp.bfloat16), b1.reshape(E, 1, H),
      W2.astype(jnp.bfloat16), b2.reshape(E, 1, D))


def _make_sc_combine():
    mesh = plsc.VectorSubcoreMesh(core_axis_name="c", subcore_axis_name="s",
                                  num_cores=2, num_subcores=16)

    @functools.partial(
        pl.kernel,
        out_type=jax.ShapeDtypeStruct((N, D), jnp.float32),
        mesh=mesh,
        scratch_types=[
            [pltpu.VMEM((CHUNK,), jnp.int32) for _ in range(NCH)],
            pltpu.VMEM((CHUNK, D), jnp.float32),
            pltpu.SemaphoreType.DMA,
        ],
    )
    def combine(pos_hbm, ys_hbm, out_hbm, idxs, rows_v, sem):
        wid = lax.axis_index("s") * 2 + lax.axis_index("c")
        base = wid * TPW
        for k in range(NCH):
            cb = base + k * CHUNK
            pltpu.sync_copy(pos_hbm.at[pl.ds(cb, CHUNK)], idxs[k])
            pltpu.async_copy(ys_hbm.at[idxs[k]], rows_v, sem).wait()
            pltpu.sync_copy(rows_v, out_hbm.at[pl.ds(cb, CHUNK)])

    return combine


_sc_dispatch = functools.cache(_make_sc_dispatch)
_sc_combine = functools.cache(_make_sc_combine)


def kernel(x, Wr, br, W1, b1, W2, b2):
    B, S, _ = x.shape
    xf = x.reshape(N, D)
    eid = _router(xf, Wr, br)
    pos2d, blk = _rank(eid)
    pos = pos2d.reshape(N)
    xs = _sc_dispatch()(pos, xf)
    ys = _experts(blk.reshape(NB), xs, W1, b1, W2, b2)
    outf = _sc_combine()(pos, ys)
    return outf.reshape(B, S, D)

# --- scband reference (transcript-rebuilt; emitter-appended) ---
"""Pipeline reference for scband-mo-eadapter-73478300500025 (READ-ONLY COPY).

The authoritative reference and input builder live on the scoring server;
editing this copy changes nothing except your own understanding.
"""

import jax, jax.numpy as jnp
import numpy as np

DIM = 768
NUM_EXPERTS = 8
HIDDEN = int(DIM * 0.25)  # 192
B, S = 2, 4096


def setup_inputs(seed: int = 0) -> dict:
    key = jax.random.key(seed)
    ks = jax.random.split(key, 8)
    x = jax.random.normal(ks[0], (B, S, DIM), dtype=jnp.float32)
    # Router linear: dim -> num_experts
    Wr = jax.random.normal(ks[1], (DIM, NUM_EXPERTS), dtype=jnp.float32) * (1.0 / np.sqrt(DIM))
    br = jnp.zeros((NUM_EXPERTS,), dtype=jnp.float32)
    # Stacked expert Adapter weights: down-proj (dim->hidden), up-proj (hidden->dim)
    W1 = jax.random.normal(ks[2], (NUM_EXPERTS, DIM, HIDDEN), dtype=jnp.float32) * (1.0 / np.sqrt(DIM))
    b1 = jnp.zeros((NUM_EXPERTS, HIDDEN), dtype=jnp.float32)
    W2 = jax.random.normal(ks[3], (NUM_EXPERTS, HIDDEN, DIM), dtype=jnp.float32) * (1.0 / np.sqrt(HIDDEN))
    b2 = jnp.zeros((NUM_EXPERTS, DIM), dtype=jnp.float32)
    return {"x": x, "Wr": Wr, "br": br, "W1": W1, "b1": b1, "W2": W2, "b2": b2}


def reference(x, Wr, br, W1, b1, W2, b2):
    # Router (eval mode: no noise), temperature = 1.0
    logits = jnp.einsum('bsd,de->bse', x, Wr) + br
    probs = jax.nn.softmax(logits, axis=-1)
    # Eval-mode routing: hard argmax (top-1)
    idx = jnp.argmax(probs, axis=-1)
    dispatch_mask = jax.nn.one_hot(idx, NUM_EXPERTS, dtype=probs.dtype)  # [B, S, E]
    out = jnp.zeros_like(x)
    for i in range(NUM_EXPERTS):
        # Adapter expert (skip_connect=False): up(gelu(down(x)))
        h = jnp.einsum('bsd,dh->bsh', x, W1[i]) + b1[i]
        h = jax.nn.gelu(h, approximate=False)
        e = jnp.einsum('bsh,hd->bsd', h, W2[i]) + b2[i]
        out = out + e * dispatch_mask[..., i:i + 1]
    # dropout is identity in eval mode; skip_connect=True; drop_path identity in eval
    out = out + x
    return out

if __name__ == "__main__":
    import jax
    _d = setup_inputs()
    print(jax.jit(kernel)(*tuple(_d.values())))

</pallas_src>

<mosaic_0001>
#map = affine_map<(d0, d1) -> (0)>
#map1 = affine_map<(d0, d1) -> (0, 0)>
module attributes {stable_mosaic.version = 14 : i64} {
  func.func @combine(%arg0: i32, %arg1: i32, %arg2: memref<8192xi32, #tpu.memory_space<hbm>>, %arg3: memref<12288x768xf32, #tpu.memory_space<hbm>>, %arg4: memref<8192x768xf32, #tpu.memory_space<hbm>>, %arg5: memref<128xi32, #tpu.memory_space<vmem>>, %arg6: memref<128xi32, #tpu.memory_space<vmem>>, %arg7: memref<128x768xf32, #tpu.memory_space<vmem>>, %arg8: memref<!tpu.dma_semaphore, #tpu.memory_space<semaphore_mem>>) attributes {dimension_semantics = [#tpu.dimension_semantics<core_parallel>, #tpu.dimension_semantics<subcore_parallel>], iteration_bounds = array<i64: 2, 16>, scalar_prefetch = 0 : i64, scratch_operands = 4 : i64, tpu.core_type = #tpu.core_type<sc_vector_subcore>, window_params = [{transform_indices = #map}, {transform_indices = #map1}, {transform_indices = #map1}]} {
    %mul3A = arith.constant 2 : i32
    %mul3A_0 = arith.muli %arg1, %mul3A : i32
    %add3A = arith.addi %mul3A_0, %arg0 : i32
    %mul3A_1 = arith.constant 256 : i32
    %mul3A_2 = arith.muli %add3A, %mul3A_1 : i32
    %add3A_3 = arith.constant 0 : i32
    %add3A_4 = arith.addi %mul3A_2, %add3A_3 : i32
    "tpu.region"() ({
      %run_scoped3A = tpu.sem_alloc : memref<!tpu.dma_semaphore, #tpu.memory_space<semaphore_mem>>
      %dma_start3A_17 = tpu.memref_slice %arg2[%add3A_4] : memref<8192xi32, #tpu.memory_space<hbm>> -> memref<128xi32, #tpu.memory_space<hbm>>
      %dma_start3A_18 = tpu.memref_slice %arg2[%add3A_4] : memref<8192xi32, #tpu.memory_space<hbm>> -> memref<128xi32, #tpu.memory_space<hbm>>
      tpu.enqueue_dma source(%dma_start3A_18 : memref<128xi32, #tpu.memory_space<hbm>>) target(%arg5 : memref<128xi32, #tpu.memory_space<vmem>>) target_semaphore(%run_scoped3A : memref<!tpu.dma_semaphore, #tpu.memory_space<semaphore_mem>>)
      %dma_wait3A_19 = tpu.memref_slice %arg2[%add3A_4] : memref<8192xi32, #tpu.memory_space<hbm>> -> memref<128xi32, #tpu.memory_space<hbm>>
      %dma_wait3A_20 = tpu.memref_slice %arg2[%add3A_4] : memref<8192xi32, #tpu.memory_space<hbm>> -> memref<128xi32, #tpu.memory_space<hbm>>
      tpu.wait_dma2 semaphore(%run_scoped3A : memref<!tpu.dma_semaphore, #tpu.memory_space<semaphore_mem>>) src(%dma_wait3A_20 : memref<128xi32, #tpu.memory_space<hbm>>) dst(%arg5 : memref<128xi32, #tpu.memory_space<vmem>>)
      tpu.yield
    }) : () -> ()
    %dma_start3A = arith.constant 0 : i32
    %dma_start3A_5 = arith.constant 0 : i32
    %dma_start3A_6 = tpu.memref_slice %arg3[%dma_start3A, %dma_start3A_5] : memref<12288x768xf32, #tpu.memory_space<hbm>> -> memref<12288x768xf32, #tpu.memory_space<hbm>>
    tpu.enqueue_indirect_dma source(%dma_start3A_6 : memref<12288x768xf32, #tpu.memory_space<hbm>>) target(%arg7 : memref<128x768xf32, #tpu.memory_space<vmem>>) offsets(%arg5 : memref<128xi32, #tpu.memory_space<vmem>>) semaphore(%arg8 : memref<!tpu.dma_semaphore, #tpu.memory_space<semaphore_mem>>)
    %dma_wait3A = arith.constant 0 : i32
    %dma_wait3A_7 = arith.constant 0 : i32
    %dma_wait3A_8 = tpu.memref_slice %arg3[%dma_wait3A, %dma_wait3A_7] : memref<12288x768xf32, #tpu.memory_space<hbm>> -> memref<12288x768xf32, #tpu.memory_space<hbm>>
    tpu.wait_indirect_dma semaphore(%arg8 : memref<!tpu.dma_semaphore, #tpu.memory_space<semaphore_mem>>) src(%dma_wait3A_8 : memref<12288x768xf32, #tpu.memory_space<hbm>>) dst(%arg7 : memref<128x768xf32, #tpu.memory_space<vmem>>)
    "tpu.region"() ({
      %run_scoped3A = tpu.sem_alloc : memref<!tpu.dma_semaphore, #tpu.memory_space<semaphore_mem>>
      %dma_start3A_17 = arith.constant 0 : i32
      %dma_start3A_18 = tpu.memref_slice %arg4[%add3A_4, %dma_start3A_17] : memref<8192x768xf32, #tpu.memory_space<hbm>> -> memref<128x768xf32, #tpu.memory_space<hbm>>
      %dma_start3A_19 = arith.constant 0 : i32
      %dma_start3A_20 = tpu.memref_slice %arg4[%add3A_4, %dma_start3A_19] : memref<8192x768xf32, #tpu.memory_space<hbm>> -> memref<128x768xf32, #tpu.memory_space<hbm>>
      tpu.enqueue_dma source(%arg7 : memref<128x768xf32, #tpu.memory_space<vmem>>) target(%dma_start3A_20 : memref<128x768xf32, #tpu.memory_space<hbm>>) target_semaphore(%run_scoped3A : memref<!tpu.dma_semaphore, #tpu.memory_space<semaphore_mem>>)
      %dma_wait3A_21 = arith.constant 0 : i32
      %dma_wait3A_22 = tpu.memref_slice %arg4[%add3A_4, %dma_wait3A_21] : memref<8192x768xf32, #tpu.memory_space<hbm>> -> memref<128x768xf32, #tpu.memory_space<hbm>>
      %dma_wait3A_23 = arith.constant 0 : i32
      %dma_wait3A_24 = tpu.memref_slice %arg4[%add3A_4, %dma_wait3A_23] : memref<8192x768xf32, #tpu.memory_space<hbm>> -> memref<128x768xf32, #tpu.memory_space<hbm>>
      tpu.wait_dma2 semaphore(%run_scoped3A : memref<!tpu.dma_semaphore, #tpu.memory_space<semaphore_mem>>) src(%arg7 : memref<128x768xf32, #tpu.memory_space<vmem>>) dst(%dma_wait3A_24 : memref<128x768xf32, #tpu.memory_space<hbm>>)
      tpu.yield
    }) : () -> ()
    %add3A_9 = arith.constant 128 : i32
    %add3A_10 = arith.addi %mul3A_2, %add3A_9 : i32
    "tpu.region"() ({
      %run_scoped3A = tpu.sem_alloc : memref<!tpu.dma_semaphore, #tpu.memory_space<semaphore_mem>>
      %dma_start3A_17 = tpu.memref_slice %arg2[%add3A_10] : memref<8192xi32, #tpu.memory_space<hbm>> -> memref<128xi32, #tpu.memory_space<hbm>>
      %dma_start3A_18 = tpu.memref_slice %arg2[%add3A_10] : memref<8192xi32, #tpu.memory_space<hbm>> -> memref<128xi32, #tpu.memory_space<hbm>>
      tpu.enqueue_dma source(%dma_start3A_18 : memref<128xi32, #tpu.memory_space<hbm>>) target(%arg6 : memref<128xi32, #tpu.memory_space<vmem>>) target_semaphore(%run_scoped3A : memref<!tpu.dma_semaphore, #tpu.memory_space<semaphore_mem>>)
      %dma_wait3A_19 = tpu.memref_slice %arg2[%add3A_10] : memref<8192xi32, #tpu.memory_space<hbm>> -> memref<128xi32, #tpu.memory_space<hbm>>
      %dma_wait3A_20 = tpu.memref_slice %arg2[%add3A_10] : memref<8192xi32, #tpu.memory_space<hbm>> -> memref<128xi32, #tpu.memory_space<hbm>>
      tpu.wait_dma2 semaphore(%run_scoped3A : memref<!tpu.dma_semaphore, #tpu.memory_space<semaphore_mem>>) src(%dma_wait3A_20 : memref<128xi32, #tpu.memory_space<hbm>>) dst(%arg6 : memref<128xi32, #tpu.memory_space<vmem>>)
      tpu.yield
    }) : () -> ()
    %dma_start3A_11 = arith.constant 0 : i32
    %dma_start3A_12 = arith.constant 0 : i32
    %dma_start3A_13 = tpu.memref_slice %arg3[%dma_start3A_11, %dma_start3A_12] : memref<12288x768xf32, #tpu.memory_space<hbm>> -> memref<12288x768xf32, #tpu.memory_space<hbm>>
    tpu.enqueue_indirect_dma source(%dma_start3A_13 : memref<12288x768xf32, #tpu.memory_space<hbm>>) target(%arg7 : memref<128x768xf32, #tpu.memory_space<vmem>>) offsets(%arg6 : memref<128xi32, #tpu.memory_space<vmem>>) semaphore(%arg8 : memref<!tpu.dma_semaphore, #tpu.memory_space<semaphore_mem>>)
    %dma_wait3A_14 = arith.constant 0 : i32
    %dma_wait3A_15 = arith.constant 0 : i32
    %dma_wait3A_16 = tpu.memref_slice %arg3[%dma_wait3A_14, %dma_wait3A_15] : memref<12288x768xf32, #tpu.memory_space<hbm>> -> memref<12288x768xf32, #tpu.memory_space<hbm>>
    tpu.wait_indirect_dma semaphore(%arg8 : memref<!tpu.dma_semaphore, #tpu.memory_space<semaphore_mem>>) src(%dma_wait3A_16 : memref<12288x768xf32, #tpu.memory_space<hbm>>) dst(%arg7 : memref<128x768xf32, #tpu.memory_space<vmem>>)
    "tpu.region"() ({
      %run_scoped3A = tpu.sem_alloc : memref<!tpu.dma_semaphore, #tpu.memory_space<semaphore_mem>>
      %dma_start3A_17 = arith.constant 0 : i32
      %dma_start3A_18 = tpu.memref_slice %arg4[%add3A_10, %dma_start3A_17] : memref<8192x768xf32, #tpu.memory_space<hbm>> -> memref<128x768xf32, #tpu.memory_space<hbm>>
      %dma_start3A_19 = arith.constant 0 : i32
      %dma_start3A_20 = tpu.memref_slice %arg4[%add3A_10, %dma_start3A_19] : memref<8192x768xf32, #tpu.memory_space<hbm>> -> memref<128x768xf32, #tpu.memory_space<hbm>>
      tpu.enqueue_dma source(%arg7 : memref<128x768xf32, #tpu.memory_space<vmem>>) target(%dma_start3A_20 : memref<128x768xf32, #tpu.memory_space<hbm>>) target_semaphore(%run_scoped3A : memref<!tpu.dma_semaphore, #tpu.memory_space<semaphore_mem>>)
      %dma_wait3A_21 = arith.constant 0 : i32
      %dma_wait3A_22 = tpu.memref_slice %arg4[%add3A_10, %dma_wait3A_21] : memref<8192x768xf32, #tpu.memory_space<hbm>> -> memref<128x768xf32, #tpu.memory_space<hbm>>
      %dma_wait3A_23 = arith.constant 0 : i32
      %dma_wait3A_24 = tpu.memref_slice %arg4[%add3A_10, %dma_wait3A_23] : memref<8192x768xf32, #tpu.memory_space<hbm>> -> memref<128x768xf32, #tpu.memory_space<hbm>>
      tpu.wait_dma2 semaphore(%run_scoped3A : memref<!tpu.dma_semaphore, #tpu.memory_space<semaphore_mem>>) src(%arg7 : memref<128x768xf32, #tpu.memory_space<vmem>>) dst(%dma_wait3A_24 : memref<128x768xf32, #tpu.memory_space<hbm>>)
      tpu.yield
    }) : () -> ()
    return
  }
}

#map = affine_map<(d0, d1) -> (0)>
#map1 = affine_map<(d0, d1) -> (0, 0)>
module attributes {stable_mosaic.version = 14 : i64} {
  func.func @dispatch(%arg0: i32, %arg1: i32, %arg2: memref<8192xi32, #tpu.memory_space<hbm>>, %arg3: memref<8192x768xf32, #tpu.memory_space<hbm>>, %arg4: memref<12288x768xf32, #tpu.memory_space<hbm>>, %arg5: memref<128xi32, #tpu.memory_space<vmem>>, %arg6: memref<128xi32, #tpu.memory_space<vmem>>, %arg7: memref<128x768xf32, #tpu.memory_space<vmem>>, %arg8: memref<!tpu.dma_semaphore, #tpu.memory_space<semaphore_mem>>) attributes {dimension_semantics = [#tpu.dimension_semantics<core_parallel>, #tpu.dimension_semantics<subcore_parallel>], iteration_bounds = array<i64: 2, 16>, scalar_prefetch = 0 : i64, scratch_operands = 4 : i64, tpu.core_type = #tpu.core_type<sc_vector_subcore>, window_params = [{transform_indices = #map}, {transform_indices = #map1}, {transform_indices = #map1}]} {
    %mul3A = arith.constant 2 : i32
    %mul3A_0 = arith.muli %arg1, %mul3A : i32
    %add3A = arith.addi %mul3A_0, %arg0 : i32
    %mul3A_1 = arith.constant 256 : i32
    %mul3A_2 = arith.muli %add3A, %mul3A_1 : i32
    %add3A_3 = arith.constant 0 : i32
    %add3A_4 = arith.addi %mul3A_2, %add3A_3 : i32
    "tpu.region"() ({
      %run_scoped3A = tpu.sem_alloc : memref<!tpu.dma_semaphore, #tpu.memory_space<semaphore_mem>>
      %dma_start3A_17 = tpu.memref_slice %arg2[%add3A_4] : memref<8192xi32, #tpu.memory_space<hbm>> -> memref<128xi32, #tpu.memory_space<hbm>>
      %dma_start3A_18 = tpu.memref_slice %arg2[%add3A_4] : memref<8192xi32, #tpu.memory_space<hbm>> -> memref<128xi32, #tpu.memory_space<hbm>>
      tpu.enqueue_dma source(%dma_start3A_18 : memref<128xi32, #tpu.memory_space<hbm>>) target(%arg5 : memref<128xi32, #tpu.memory_space<vmem>>) target_semaphore(%run_scoped3A : memref<!tpu.dma_semaphore, #tpu.memory_space<semaphore_mem>>)
      %dma_wait3A_19 = tpu.memref_slice %arg2[%add3A_4] : memref<8192xi32, #tpu.memory_space<hbm>> -> memref<128xi32, #tpu.memory_space<hbm>>
      %dma_wait3A_20 = tpu.memref_slice %arg2[%add3A_4] : memref<8192xi32, #tpu.memory_space<hbm>> -> memref<128xi32, #tpu.memory_space<hbm>>
      tpu.wait_dma2 semaphore(%run_scoped3A : memref<!tpu.dma_semaphore, #tpu.memory_space<semaphore_mem>>) src(%dma_wait3A_20 : memref<128xi32, #tpu.memory_space<hbm>>) dst(%arg5 : memref<128xi32, #tpu.memory_space<vmem>>)
      tpu.yield
    }) : () -> ()
    "tpu.region"() ({
      %run_scoped3A = tpu.sem_alloc : memref<!tpu.dma_semaphore, #tpu.memory_space<semaphore_mem>>
      %dma_start3A_17 = arith.constant 0 : i32
      %dma_start3A_18 = tpu.memref_slice %arg3[%add3A_4, %dma_start3A_17] : memref<8192x768xf32, #tpu.memory_space<hbm>> -> memref<128x768xf32, #tpu.memory_space<hbm>>
      %dma_start3A_19 = arith.constant 0 : i32
      %dma_start3A_20 = tpu.memref_slice %arg3[%add3A_4, %dma_start3A_19] : memref<8192x768xf32, #tpu.memory_space<hbm>> -> memref<128x768xf32, #tpu.memory_space<hbm>>
      tpu.enqueue_dma source(%dma_start3A_20 : memref<128x768xf32, #tpu.memory_space<hbm>>) target(%arg7 : memref<128x768xf32, #tpu.memory_space<vmem>>) target_semaphore(%run_scoped3A : memref<!tpu.dma_semaphore, #tpu.memory_space<semaphore_mem>>)
      %dma_wait3A_21 = arith.constant 0 : i32
      %dma_wait3A_22 = tpu.memref_slice %arg3[%add3A_4, %dma_wait3A_21] : memref<8192x768xf32, #tpu.memory_space<hbm>> -> memref<128x768xf32, #tpu.memory_space<hbm>>
      %dma_wait3A_23 = arith.constant 0 : i32
      %dma_wait3A_24 = tpu.memref_slice %arg3[%add3A_4, %dma_wait3A_23] : memref<8192x768xf32, #tpu.memory_space<hbm>> -> memref<128x768xf32, #tpu.memory_space<hbm>>
      tpu.wait_dma2 semaphore(%run_scoped3A : memref<!tpu.dma_semaphore, #tpu.memory_space<semaphore_mem>>) src(%dma_wait3A_24 : memref<128x768xf32, #tpu.memory_space<hbm>>) dst(%arg7 : memref<128x768xf32, #tpu.memory_space<vmem>>)
      tpu.yield
    }) : () -> ()
    %dma_start3A = arith.constant 0 : i32
    %dma_start3A_5 = arith.constant 0 : i32
    %dma_start3A_6 = tpu.memref_slice %arg4[%dma_start3A, %dma_start3A_5] : memref<12288x768xf32, #tpu.memory_space<hbm>> -> memref<12288x768xf32, #tpu.memory_space<hbm>>
    tpu.enqueue_indirect_dma source(%arg7 : memref<128x768xf32, #tpu.memory_space<vmem>>) target(%dma_start3A_6 : memref<12288x768xf32, #tpu.memory_space<hbm>>) offsets(%arg5 : memref<128xi32, #tpu.memory_space<vmem>>) semaphore(%arg8 : memref<!tpu.dma_semaphore, #tpu.memory_space<semaphore_mem>>)
    %dma_wait3A = arith.constant 0 : i32
    %dma_wait3A_7 = arith.constant 0 : i32
    %dma_wait3A_8 = tpu.memref_slice %arg4[%dma_wait3A, %dma_wait3A_7] : memref<12288x768xf32, #tpu.memory_space<hbm>> -> memref<12288x768xf32, #tpu.memory_space<hbm>>
    tpu.wait_indirect_dma semaphore(%arg8 : memref<!tpu.dma_semaphore, #tpu.memory_space<semaphore_mem>>) src(%arg7 : memref<128x768xf32, #tpu.memory_space<vmem>>) dst(%dma_wait3A_8 : memref<12288x768xf32, #tpu.memory_space<hbm>>)
    %add3A_9 = arith.constant 128 : i32
    %add3A_10 = arith.addi %mul3A_2, %add3A_9 : i32
    "tpu.region"() ({
      %run_scoped3A = tpu.sem_alloc : memref<!tpu.dma_semaphore, #tpu.memory_space<semaphore_mem>>
      %dma_start3A_17 = tpu.memref_slice %arg2[%add3A_10] : memref<8192xi32, #tpu.memory_space<hbm>> -> memref<128xi32, #tpu.memory_space<hbm>>
      %dma_start3A_18 = tpu.memref_slice %arg2[%add3A_10] : memref<8192xi32, #tpu.memory_space<hbm>> -> memref<128xi32, #tpu.memory_space<hbm>>
      tpu.enqueue_dma source(%dma_start3A_18 : memref<128xi32, #tpu.memory_space<hbm>>) target(%arg6 : memref<128xi32, #tpu.memory_space<vmem>>) target_semaphore(%run_scoped3A : memref<!tpu.dma_semaphore, #tpu.memory_space<semaphore_mem>>)
      %dma_wait3A_19 = tpu.memref_slice %arg2[%add3A_10] : memref<8192xi32, #tpu.memory_space<hbm>> -> memref<128xi32, #tpu.memory_space<hbm>>
      %dma_wait3A_20 = tpu.memref_slice %arg2[%add3A_10] : memref<8192xi32, #tpu.memory_space<hbm>> -> memref<128xi32, #tpu.memory_space<hbm>>
      tpu.wait_dma2 semaphore(%run_scoped3A : memref<!tpu.dma_semaphore, #tpu.memory_space<semaphore_mem>>) src(%dma_wait3A_20 : memref<128xi32, #tpu.memory_space<hbm>>) dst(%arg6 : memref<128xi32, #tpu.memory_space<vmem>>)
      tpu.yield
    }) : () -> ()
    "tpu.region"() ({
      %run_scoped3A = tpu.sem_alloc : memref<!tpu.dma_semaphore, #tpu.memory_space<semaphore_mem>>
      %dma_start3A_17 = arith.constant 0 : i32
      %dma_start3A_18 = tpu.memref_slice %arg3[%add3A_10, %dma_start3A_17] : memref<8192x768xf32, #tpu.memory_space<hbm>> -> memref<128x768xf32, #tpu.memory_space<hbm>>
      %dma_start3A_19 = arith.constant 0 : i32
      %dma_start3A_20 = tpu.memref_slice %arg3[%add3A_10, %dma_start3A_19] : memref<8192x768xf32, #tpu.memory_space<hbm>> -> memref<128x768xf32, #tpu.memory_space<hbm>>
      tpu.enqueue_dma source(%dma_start3A_20 : memref<128x768xf32, #tpu.memory_space<hbm>>) target(%arg7 : memref<128x768xf32, #tpu.memory_space<vmem>>) target_semaphore(%run_scoped3A : memref<!tpu.dma_semaphore, #tpu.memory_space<semaphore_mem>>)
      %dma_wait3A_21 = arith.constant 0 : i32
      %dma_wait3A_22 = tpu.memref_slice %arg3[%add3A_10, %dma_wait3A_21] : memref<8192x768xf32, #tpu.memory_space<hbm>> -> memref<128x768xf32, #tpu.memory_space<hbm>>
      %dma_wait3A_23 = arith.constant 0 : i32
      %dma_wait3A_24 = tpu.memref_slice %arg3[%add3A_10, %dma_wait3A_23] : memref<8192x768xf32, #tpu.memory_space<hbm>> -> memref<128x768xf32, #tpu.memory_space<hbm>>
      tpu.wait_dma2 semaphore(%run_scoped3A : memref<!tpu.dma_semaphore, #tpu.memory_space<semaphore_mem>>) src(%dma_wait3A_24 : memref<128x768xf32, #tpu.memory_space<hbm>>) dst(%arg7 : memref<128x768xf32, #tpu.memory_space<vmem>>)
      tpu.yield
    }) : () -> ()
    %dma_start3A_11 = arith.constant 0 : i32
    %dma_start3A_12 = arith.constant 0 : i32
    %dma_start3A_13 = tpu.memref_slice %arg4[%dma_start3A_11, %dma_start3A_12] : memref<12288x768xf32, #tpu.memory_space<hbm>> -> memref<12288x768xf32, #tpu.memory_space<hbm>>
    tpu.enqueue_indirect_dma source(%arg7 : memref<128x768xf32, #tpu.memory_space<vmem>>) target(%dma_start3A_13 : memref<12288x768xf32, #tpu.memory_space<hbm>>) offsets(%arg6 : memref<128xi32, #tpu.memory_space<vmem>>) semaphore(%arg8 : memref<!tpu.dma_semaphore, #tpu.memory_space<semaphore_mem>>)
    %dma_wait3A_14 = arith.constant 0 : i32
    %dma_wait3A_15 = arith.constant 0 : i32
    %dma_wait3A_16 = tpu.memref_slice %arg4[%dma_wait3A_14, %dma_wait3A_15] : memref<12288x768xf32, #tpu.memory_space<hbm>> -> memref<12288x768xf32, #tpu.memory_space<hbm>>
    tpu.wait_indirect_dma semaphore(%arg8 : memref<!tpu.dma_semaphore, #tpu.memory_space<semaphore_mem>>) src(%arg7 : memref<128x768xf32, #tpu.memory_space<vmem>>) dst(%dma_wait3A_16 : memref<12288x768xf32, #tpu.memory_space<hbm>>)
    return
  }
}

module attributes {stable_mosaic.version = 14 : i64} {
  func.func @_router_body(%arg0: i32, %arg1: memref<2048x768xf32, #tpu.memory_space<vmem>>, %arg2: memref<768x8xf32, #tpu.memory_space<vmem>>, %arg3: memref<1x8xf32, #tpu.memory_space<vmem>>, %arg4: memref<16x128xi32, #tpu.memory_space<vmem>>) attributes {dimension_semantics = [#tpu.dimension_semantics<arbitrary>], iteration_bounds = array<i64: 4>, scalar_prefetch = 0 : i64, scratch_operands = 0 : i64, tpu.core_type = #tpu.core_type<tc>, window_params = [{transform_indices = @transform_0, window_bounds = array<i64: 2048, 768>}, {pipeline_mode = #tpu.pipeline_mode<synchronous>, transform_indices = @transform_1, window_bounds = array<i64: 768, 8>}, {pipeline_mode = #tpu.pipeline_mode<synchronous>, transform_indices = @transform_2, window_bounds = array<i64: 1, 8>}, {transform_indices = @transform_3, window_bounds = array<i64: 16, 128>}]} {
    %get3A = arith.constant 0 : index
    %get3A_0 = arith.constant 0 : index
    %get3A_1 = vector.load %arg1[%get3A, %get3A_0] : memref<2048x768xf32, #tpu.memory_space<vmem>>, vector<2048x768xf32>
    %convert_element_type3A = arith.truncf %get3A_1 : vector<2048x768xf32> to vector<2048x768xbf16>
    %get3A_2 = arith.constant 0 : index
    %get3A_3 = arith.constant 0 : index
    %get3A_4 = vector.load %arg2[%get3A_2, %get3A_3] : memref<768x8xf32, #tpu.memory_space<vmem>>, vector<768x8xf32>
    %convert_element_type3A_5 = arith.truncf %get3A_4 : vector<768x8xf32> to vector<768x8xbf16>
    %dot_general3A = arith.constant dense<0.000000e+00> : vector<2048x8xf32>
    %dot_general3A_6 = tpu.matmul %convert_element_type3A, %convert_element_type3A_5, %dot_general3A {dimension_numbers = #tpu.dot_dimension_numbers<[1], [0], [0], [1], [0, 0, 1, 1], [], []>, transpose_lhs_hint = false} : vector<2048x768xbf16>, vector<768x8xbf16>, vector<2048x8xf32> -> vector<2048x8xf32>
    %get3A_7 = arith.constant 0 : index
    %get3A_8 = arith.constant 0 : index
    %get3A_9 = vector.load %arg3[%get3A_7, %get3A_8] : memref<1x8xf32, #tpu.memory_space<vmem>>, vector<1x8xf32>
    %add3A = vector.broadcast %get3A_9 : vector<1x8xf32> to vector<2048x8xf32>
    %add3A_10 = arith.addf %dot_general3A_6, %add3A : vector<2048x8xf32>
    %reduce_max3A = arith.constant dense<0xFF800000> : vector<2048xf32>
    %reduce_max3A_11 = vector.multi_reduction <maximumf>, %add3A_10, %reduce_max3A [1] : vector<2048x8xf32> to vector<2048xf32>
    %broadcast_in_dim3A = vector.shape_cast %reduce_max3A_11 : vector<2048xf32> to vector<2048x1xf32>
    %eq3A = vector.broadcast %broadcast_in_dim3A : vector<2048x1xf32> to vector<2048x8xf32>
    %eq3A_12 = arith.cmpf oeq, %add3A_10, %eq3A : vector<2048x8xf32>
    %iota3A = tpu.iota {dimensions = array<i32: 1>} : vector<2048x8xi32>
    %jit3A = arith.constant 8 : i32
    %broadcast_in_dim3A_13 = vector.broadcast %jit3A : i32 to vector<2048x8xi32>
    %select_n3A = arith.select %eq3A_12, %iota3A, %broadcast_in_dim3A_13 : vector<2048x8xi1>, vector<2048x8xi32>
    %reduce_min3A = arith.constant dense<2147483647> : vector<2048xi32>
    %reduce_min3A_14 = vector.multi_reduction <minsi>, %select_n3A, %reduce_min3A [1] : vector<2048x8xi32> to vector<2048xi32>
    %reshape3A = vector.shape_cast %reduce_min3A_14 : vector<2048xi32> to vector<16x128xi32>
    %swap3A = arith.constant 0 : index
    %swap3A_15 = arith.constant 0 : index
    %swap3A_16 = vector.load %arg4[%swap3A, %swap3A_15] : memref<16x128xi32, #tpu.memory_space<vmem>>, vector<16x128xi32>
    tpu.vector_store %arg4[%swap3A, %swap3A_15], %reshape3A {strides = array<i32>} : memref<16x128xi32, #tpu.memory_space<vmem>>, vector<16x128xi32>,
    return
  }
  func.func @transform_0(%arg0: i32) -> (i32, i32) {
    %c0_i32 = arith.constant 0 : i32
    %c0_i32_0 = arith.constant 0 : i32
    return %arg0, %c0_i32 : i32, i32
  }
  func.func @transform_1(%arg0: i32) -> (i32, i32) {
    %c0_i32 = arith.constant 0 : i32
    %c0_i32_0 = arith.constant 0 : i32
    %c0_i32_1 = arith.constant 0 : i32
    return %c0_i32, %c0_i32_0 : i32, i32
  }
  func.func @transform_2(%arg0: i32) -> (i32, i32) {
    %c0_i32 = arith.constant 0 : i32
    %c0_i32_0 = arith.constant 0 : i32
    %c0_i32_1 = arith.constant 0 : i32
    return %c0_i32, %c0_i32_0 : i32, i32
  }
  func.func @transform_3(%arg0: i32) -> (i32, i32) {
    %c0_i32 = arith.constant 0 : i32
    %c0_i32_0 = arith.constant 0 : i32
    return %arg0, %c0_i32 : i32, i32
  }
}

module attributes {stable_mosaic.version = 14 : i64} {
  func.func @_rank_body(%arg0: memref<64x128xi32, #tpu.memory_space<vmem>>, %arg1: memref<64x128xi32, #tpu.memory_space<vmem>>, %arg2: memref<24x1xi32, #tpu.memory_space<vmem>>) attributes {dimension_semantics = [], scalar_prefetch = 0 : i64, scratch_operands = 0 : i64, tpu.core_type = #tpu.core_type<tc>} {
    %get3A = arith.constant 0 : index
    %get3A_0 = arith.constant 0 : index
    %get3A_1 = vector.load %arg0[%get3A, %get3A_0] : memref<64x128xi32, #tpu.memory_space<vmem>>, vector<64x128xi32>
    %iota3A = tpu.iota {dimensions = array<i32: 0>} : vector<128x128xi32>
    %iota3A_2 = tpu.iota {dimensions = array<i32: 1>} : vector<128x128xi32>
    %le3A = arith.cmpi sle, %iota3A, %iota3A_2 : vector<128x128xi32>
    %convert_element_type3A = arith.extui %le3A : vector<128x128xi1> to vector<128x128xi32>
    %convert_element_type3A_3 = arith.sitofp %convert_element_type3A : vector<128x128xi32> to vector<128x128xf32>
    %iota3A_4 = tpu.iota {dimensions = array<i32: 0>} : vector<64x64xi32>
    %iota3A_5 = tpu.iota {dimensions = array<i32: 1>} : vector<64x64xi32>
    %lt3A = arith.cmpi slt, %iota3A_5, %iota3A_4 : vector<64x64xi32>
    %convert_element_type3A_6 = arith.extui %lt3A : vector<64x64xi1> to vector<64x64xi32>
    %convert_element_type3A_7 = arith.sitofp %convert_element_type3A_6 : vector<64x64xi32> to vector<64x64xf32>
    %broadcast_in_dim3A = arith.constant 0.000000e+00 : f32
    %broadcast_in_dim3A_8 = vector.broadcast %broadcast_in_dim3A : f32 to vector<64x128xf32>
    %broadcast_in_dim3A_9 = arith.constant 0.000000e+00 : f32
    %broadcast_in_dim3A_10 = vector.broadcast %broadcast_in_dim3A_9 : f32 to vector<1x1xf32>
    %eq3A = arith.constant 0 : i32
    %eq3A_11 = vector.broadcast %eq3A : i32 to vector<64x128xi32>
    %eq3A_12 = arith.cmpi eq, %get3A_1, %eq3A_11 : vector<64x128xi32>
    %convert_element_type3A_13 = arith.extui %eq3A_12 : vector<64x128xi1> to vector<64x128xi32>
    %convert_element_type3A_14 = arith.sitofp %convert_element_type3A_13 : vector<64x128xi32> to vector<64x128xf32>
    %dot_general3A = arith.constant dense<0.000000e+00> : vector<64x128xf32>
    %dot_general3A_15 = tpu.matmul %convert_element_type3A_14, %convert_element_type3A_3, %dot_general3A {dimension_numbers = #tpu.dot_dimension_numbers<[1], [0], [0], [1], [0, 0, 1, 1], [], []>, transpose_lhs_hint = false} : vector<64x128xf32>, vector<128x128xf32>, vector<64x128xf32> -> vector<64x128xf32>
    %reduce_sum3A = arith.constant dense<0.000000e+00> : vector<64xf32>
    %reduce_sum3A_16 = vector.multi_reduction <add>, %convert_element_type3A_14, %reduce_sum3A [1] : vector<64x128xf32> to vector<64xf32>
    %broadcast_in_dim3A_17 = vector.shape_cast %reduce_sum3A_16 : vector<64xf32> to vector<64x1xf32>
    %dot_general3A_18 = arith.constant dense<0.000000e+00> : vector<64x1xf32>
    %dot_general3A_19 = tpu.matmul %convert_element_type3A_7, %broadcast_in_dim3A_17, %dot_general3A_18 {dimension_numbers = #tpu.dot_dimension_numbers<[1], [0], [0], [1], [0, 0, 1, 1], [], []>, transpose_lhs_hint = false} : vector<64x64xf32>, vector<64x1xf32>, vector<64x1xf32> -> vector<64x1xf32>
    %add3A = vector.broadcast %dot_general3A_19 : vector<64x1xf32> to vector<64x128xf32>
    %add3A_20 = arith.addf %add3A, %dot_general3A_15 : vector<64x128xf32>
    %sub3A = arith.subf %add3A_20, %convert_element_type3A_14 : vector<64x128xf32>
    %add3A_21 = vector.broadcast %broadcast_in_dim3A_10 : vector<1x1xf32> to vector<64x128xf32>
    %add3A_22 = arith.addf %add3A_21, %sub3A : vector<64x128xf32>
    %mul3A = arith.mulf %convert_element_type3A_14, %add3A_22 : vector<64x128xf32>
    %add3A_23 = arith.addf %broadcast_in_dim3A_8, %mul3A : vector<64x128xf32>
    %reduce_sum3A_24 = arith.constant dense<0.000000e+00> : vector<1xf32>
    %reduce_sum3A_25 = vector.multi_reduction <add>, %broadcast_in_dim3A_17, %reduce_sum3A_24 [0] : vector<64x1xf32> to vector<1xf32>
    %broadcast_in_dim3A_26 = vector.shape_cast %reduce_sum3A_25 : vector<1xf32> to vector<1x1xf32>
    %div3A = arith.constant 5.120000e+02 : f32
    %div3A_27 = vector.broadcast %div3A : f32 to vector<1x1xf32>
    %div3A_28 = arith.divf %broadcast_in_dim3A_26, %div3A_27 : vector<1x1xf32>
    %ceil3A = math.ceil %div3A_28 : vector<1x1xf32>
    %mul3A_29 = arith.constant 5.120000e+02 : f32
    %mul3A_30 = vector.broadcast %mul3A_29 : f32 to vector<1x1xf32>
    %mul3A_31 = arith.mulf %ceil3A, %mul3A_30 : vector<1x1xf32>
    %add3A_32 = arith.addf %broadcast_in_dim3A_10, %mul3A_31 : vector<1x1xf32>
    %eq3A_33 = arith.constant 1 : i32
    %eq3A_34 = vector.broadcast %eq3A_33 : i32 to vector<64x128xi32>
    %eq3A_35 = arith.cmpi eq, %get3A_1, %eq3A_34 : vector<64x128xi32>
    %convert_element_type3A_36 = arith.extui %eq3A_35 : vector<64x128xi1> to vector<64x128xi32>
    %convert_element_type3A_37 = arith.sitofp %convert_element_type3A_36 : vector<64x128xi32> to vector<64x128xf32>
    %dot_general3A_38 = arith.constant dense<0.000000e+00> : vector<64x128xf32>
    %dot_general3A_39 = tpu.matmul %convert_element_type3A_37, %convert_element_type3A_3, %dot_general3A_38 {dimension_numbers = #tpu.dot_dimension_numbers<[1], [0], [0], [1], [0, 0, 1, 1], [], []>, transpose_lhs_hint = false} : vector<64x128xf32>, vector<128x128xf32>, vector<64x128xf32> -> vector<64x128xf32>
    %reduce_sum3A_40 = arith.constant dense<0.000000e+00> : vector<64xf32>
    %reduce_sum3A_41 = vector.multi_reduction <add>, %convert_element_type3A_37, %reduce_sum3A_40 [1] : vector<64x128xf32> to vector<64xf32>
    %broadcast_in_dim3A_42 = vector.shape_cast %reduce_sum3A_41 : vector<64xf32> to vector<64x1xf32>
    %dot_general3A_43 = arith.constant dense<0.000000e+00> : vector<64x1xf32>
    %dot_general3A_44 = tpu.matmul %convert_element_type3A_7, %broadcast_in_dim3A_42, %dot_general3A_43 {dimension_numbers = #tpu.dot_dimension_numbers<[1], [0], [0], [1], [0, 0, 1, 1], [], []>, transpose_lhs_hint = false} : vector<64x64xf32>, vector<64x1xf32>, vector<64x1xf32> -> vector<64x1xf32>
    %add3A_45 = vector.broadcast %dot_general3A_44 : vector<64x1xf32> to vector<64x128xf32>
    %add3A_46 = arith.addf %add3A_45, %dot_general3A_39 : vector<64x128xf32>
    %sub3A_47 = arith.subf %add3A_46, %convert_element_type3A_37 : vector<64x128xf32>
    %add3A_48 = vector.broadcast %add3A_32 : vector<1x1xf32> to vector<64x128xf32>
    %add3A_49 = arith.addf %add3A_48, %sub3A_47 : vector<64x128xf32>
    %mul3A_50 = arith.mulf %convert_element_type3A_37, %add3A_49 : vector<64x128xf32>
    %add3A_51 = arith.addf %add3A_23, %mul3A_50 : vector<64x128xf32>
    %reduce_sum3A_52 = arith.constant dense<0.000000e+00> : vector<1xf32>
    %reduce_sum3A_53 = vector.multi_reduction <add>, %broadcast_in_dim3A_42, %reduce_sum3A_52 [0] : vector<64x1xf32> to vector<1xf32>
    %broadcast_in_dim3A_54 = vector.shape_cast %reduce_sum3A_53 : vector<1xf32> to vector<1x1xf32>
    %div3A_55 = arith.constant 5.120000e+02 : f32
    %div3A_56 = vector.broadcast %div3A_55 : f32 to vector<1x1xf32>
    %div3A_57 = arith.divf %broadcast_in_dim3A_54, %div3A_56 : vector<1x1xf32>
    %ceil3A_58 = math.ceil %div3A_57 : vector<1x1xf32>
    %mul3A_59 = arith.constant 5.120000e+02 : f32
    %mul3A_60 = vector.broadcast %mul3A_59 : f32 to vector<1x1xf32>
    %mul3A_61 = arith.mulf %ceil3A_58, %mul3A_60 : vector<1x1xf32>
    %add3A_62 = arith.addf %add3A_32, %mul3A_61 : vector<1x1xf32>
    %eq3A_63 = arith.constant 2 : i32
    %eq3A_64 = vector.broadcast %eq3A_63 : i32 to vector<64x128xi32>
    %eq3A_65 = arith.cmpi eq, %get3A_1, %eq3A_64 : vector<64x128xi32>
    %convert_element_type3A_66 = arith.extui %eq3A_65 : vector<64x128xi1> to vector<64x128xi32>
    %convert_element_type3A_67 = arith.sitofp %convert_element_type3A_66 : vector<64x128xi32> to vector<64x128xf32>
    %dot_general3A_68 = arith.constant dense<0.000000e+00> : vector<64x128xf32>
    %dot_general3A_69 = tpu.matmul %convert_element_type3A_67, %convert_element_type3A_3, %dot_general3A_68 {dimension_numbers = #tpu.dot_dimension_numbers<[1], [0], [0], [1], [0, 0, 1, 1], [], []>, transpose_lhs_hint = false} : vector<64x128xf32>, vector<128x128xf32>, vector<64x128xf32> -> vector<64x128xf32>
    %reduce_sum3A_70 = arith.constant dense<0.000000e+00> : vector<64xf32>
    %reduce_sum3A_71 = vector.multi_reduction <add>, %convert_element_type3A_67, %reduce_sum3A_70 [1] : vector<64x128xf32> to vector<64xf32>
    %broadcast_in_dim3A_72 = vector.shape_cast %reduce_sum3A_71 : vector<64xf32> to vector<64x1xf32>
    %dot_general3A_73 = arith.constant dense<0.000000e+00> : vector<64x1xf32>
    %dot_general3A_74 = tpu.matmul %convert_element_type3A_7, %broadcast_in_dim3A_72, %dot_general3A_73 {dimension_numbers = #tpu.dot_dimension_numbers<[1], [0], [0], [1], [0, 0, 1, 1], [], []>, transpose_lhs_hint = false} : vector<64x64xf32>, vector<64x1xf32>, vector<64x1xf32> -> vector<64x1xf32>
    %add3A_75 = vector.broadcast %dot_general3A_74 : vector<64x1xf32> to vector<64x128xf32>
    %add3A_76 = arith.addf %add3A_75, %dot_general3A_69 : vector<64x128xf32>
    %sub3A_77 = arith.subf %add3A_76, %convert_element_type3A_67 : vector<64x128xf32>
    %add3A_78 = vector.broadcast %add3A_62 : vector<1x1xf32> to vector<64x128xf32>
    %add3A_79 = arith.addf %add3A_78, %sub3A_77 : vector<64x128xf32>
    %mul3A_80 = arith.mulf %convert_element_type3A_67, %add3A_79 : vector<64x128xf32>
    %add3A_81 = arith.addf %add3A_51, %mul3A_80 : vector<64x128xf32>
    %reduce_sum3A_82 = arith.constant dense<0.000000e+00> : vector<1xf32>
    %reduce_sum3A_83 = vector.multi_reduction <add>, %broadcast_in_dim3A_72, %reduce_sum3A_82 [0] : vector<64x1xf32> to vector<1xf32>
    %broadcast_in_dim3A_84 = vector.shape_cast %reduce_sum3A_83 : vector<1xf32> to vector<1x1xf32>
    %div3A_85 = arith.constant 5.120000e+02 : f32
    %div3A_86 = vector.broadcast %div3A_85 : f32 to vector<1x1xf32>
    %div3A_87 = arith.divf %broadcast_in_dim3A_84, %div3A_86 : vector<1x1xf32>
    %ceil3A_88 = math.ceil %div3A_87 : vector<1x1xf32>
    %mul3A_89 = arith.constant 5.120000e+02 : f32
    %mul3A_90 = vector.broadcast %mul3A_89 : f32 to vector<1x1xf32>
    %mul3A_91 = arith.mulf %ceil3A_88, %mul3A_90 : vector<1x1xf32>
    %add3A_92 = arith.addf %add3A_62, %mul3A_91 : vector<1x1xf32>
    %eq3A_93 = arith.constant 3 : i32
    %eq3A_94 = vector.broadcast %eq3A_93 : i32 to vector<64x128xi32>
    %eq3A_95 = arith.cmpi eq, %get3A_1, %eq3A_94 : vector<64x128xi32>
    %convert_element_type3A_96 = arith.extui %eq3A_95 : vector<64x128xi1> to vector<64x128xi32>
    %convert_element_type3A_97 = arith.sitofp %convert_element_type3A_96 : vector<64x128xi32> to vector<64x128xf32>
    %dot_general3A_98 = arith.constant dense<0.000000e+00> : vector<64x128xf32>
    %dot_general3A_99 = tpu.matmul %convert_element_type3A_97, %convert_element_type3A_3, %dot_general3A_98 {dimension_numbers = #tpu.dot_dimension_numbers<[1], [0], [0], [1], [0, 0, 1, 1], [], []>, transpose_lhs_hint = false} : vector<64x128xf32>, vector<128x128xf32>, vector<64x128xf32> -> vector<64x128xf32>
    %reduce_sum3A_100 = arith.constant dense<0.000000e+00> : vector<64xf32>
    %reduce_sum3A_101 = vector.multi_reduction <add>, %convert_element_type3A_97, %reduce_sum3A_100 [1] : vector<64x128xf32> to vector<64xf32>
    %broadcast_in_dim3A_102 = vector.shape_cast %reduce_sum3A_101 : vector<64xf32> to vector<64x1xf32>
    %dot_general3A_103 = arith.constant dense<0.000000e+00> : vector<64x1xf32>
    %dot_general3A_104 = tpu.matmul %convert_element_type3A_7, %broadcast_in_dim3A_102, %dot_general3A_103 {dimension_numbers = #tpu.dot_dimension_numbers<[1], [0], [0], [1], [0, 0, 1, 1], [], []>, transpose_lhs_hint = false} : vector<64x64xf32>, vector<64x1xf32>, vector<64x1xf32> -> vector<64x1xf32>
    %add3A_105 = vector.broadcast %dot_general3A_104 : vector<64x1xf32> to vector<64x128xf32>
    %add3A_106 = arith.addf %add3A_105, %dot_general3A_99 : vector<64x128xf32>
    %sub3A_107 = arith.subf %add3A_106, %convert_element_type3A_97 : vector<64x128xf32>
    %add3A_108 = vector.broadcast %add3A_92 : vector<1x1xf32> to vector<64x128xf32>
    %add3A_109 = arith.addf %add3A_108, %sub3A_107 : vector<64x128xf32>
    %mul3A_110 = arith.mulf %convert_element_type3A_97, %add3A_109 : vector<64x128xf32>
    %add3A_111 = arith.addf %add3A_81, %mul3A_110 : vector<64x128xf32>
    %reduce_sum3A_112 = arith.constant dense<0.000000e+00> : vector<1xf32>
    %reduce_sum3A_113 = vector.multi_reduction <add>, %broadcast_in_dim3A_102, %reduce_sum3A_112 [0] : vector<64x1xf32> to vector<1xf32>
    %broadcast_in_dim3A_114 = vector.shape_cast %reduce_sum3A_113 : vector<1xf32> to vector<1x1xf32>
    %div3A_115 = arith.constant 5.120000e+02 : f32
    %div3A_116 = vector.broadcast %div3A_115 : f32 to vector<1x1xf32>
    %div3A_117 = arith.divf %broadcast_in_dim3A_114, %div3A_116 : vector<1x1xf32>
    %ceil3A_118 = math.ceil %div3A_117 : vector<1x1xf32>
    %mul3A_119 = arith.constant 5.120000e+02 : f32
    %mul3A_120 = vector.broadcast %mul3A_119 : f32 to vector<1x1xf32>
    %mul3A_121 = arith.mulf %ceil3A_118, %mul3A_120 : vector<1x1xf32>
    %add3A_122 = arith.addf %add3A_92, %mul3A_121 : vector<1x1xf32>
    %eq3A_123 = arith.constant 4 : i32
    %eq3A_124 = vector.broadcast %eq3A_123 : i32 to vector<64x128xi32>
    %eq3A_125 = arith.cmpi eq, %get3A_1, %eq3A_124 : vector<64x128xi32>
    %convert_element_type3A_126 = arith.extui %eq3A_125 : vector<64x128xi1> to vector<64x128xi32>
    %convert_element_type3A_127 = arith.sitofp %convert_element_type3A_126 : vector<64x128xi32> to vector<64x128xf32>
    %dot_general3A_128 = arith.constant dense<0.000000e+00> : vector<64x128xf32>
    %dot_general3A_129 = tpu.matmul %convert_element_type3A_127, %convert_element_type3A_3, %dot_general3A_128 {dimension_numbers = #tpu.dot_dimension_numbers<[1], [0], [0], [1], [0, 0, 1, 1], [], []>, transpose_lhs_hint = false} : vector<64x128xf32>, vector<128x128xf32>, vector<64x128xf32> -> vector<64x128xf32>
    %reduce_sum3A_130 = arith.constant dense<0.000000e+00> : vector<64xf32>
    %reduce_sum3A_131 = vector.multi_reduction <add>, %convert_element_type3A_127, %reduce_sum3A_130 [1] : vector<64x128xf32> to vector<64xf32>
    %broadcast_in_dim3A_132 = vector.shape_cast %reduce_sum3A_131 : vector<64xf32> to vector<64x1xf32>
    %dot_general3A_133 = arith.constant dense<0.000000e+00> : vector<64x1xf32>
    %dot_general3A_134 = tpu.matmul %convert_element_type3A_7, %broadcast_in_dim3A_132, %dot_general3A_133 {dimension_numbers = #tpu.dot_dimension_numbers<[1], [0], [0], [1], [0, 0, 1, 1], [], []>, transpose_lhs_hint = false} : vector<64x64xf32>, vector<64x1xf32>, vector<64x1xf32> -> vector<64x1xf32>
    %add3A_135 = vector.broadcast %dot_general3A_134 : vector<64x1xf32> to vector<64x128xf32>
    %add3A_136 = arith.addf %add3A_135, %dot_general3A_129 : vector<64x128xf32>
    %sub3A_137 = arith.subf %add3A_136, %convert_element_type3A_127 : vector<64x128xf32>
    %add3A_138 = vector.broadcast %add3A_122 : vector<1x1xf32> to vector<64x128xf32>
    %add3A_139 = arith.addf %add3A_138, %sub3A_137 : vector<64x128xf32>
    %mul3A_140 = arith.mulf %convert_element_type3A_127, %add3A_139 : vector<64x128xf32>
    %add3A_141 = arith.addf %add3A_111, %mul3A_140 : vector<64x128xf32>
    %reduce_sum3A_142 = arith.constant dense<0.000000e+00> : vector<1xf32>
    %reduce_sum3A_143 = vector.multi_reduction <add>, %broadcast_in_dim3A_132, %reduce_sum3A_142 [0] : vector<64x1xf32> to vector<1xf32>
    %broadcast_in_dim3A_144 = vector.shape_cast %reduce_sum3A_143 : vector<1xf32> to vector<1x1xf32>
    %div3A_145 = arith.constant 5.120000e+02 : f32
    %div3A_146 = vector.broadcast %div3A_145 : f32 to vector<1x1xf32>
    %div3A_147 = arith.divf %broadcast_in_dim3A_144, %div3A_146 : vector<1x1xf32>
    %ceil3A_148 = math.ceil %div3A_147 : vector<1x1xf32>
    %mul3A_149 = arith.constant 5.120000e+02 : f32
    %mul3A_150 = vector.broadcast %mul3A_149 : f32 to vector<1x1xf32>
    %mul3A_151 = arith.mulf %ceil3A_148, %mul3A_150 : vector<1x1xf32>
    %add3A_152 = arith.addf %add3A_122, %mul3A_151 : vector<1x1xf32>
    %eq3A_153 = arith.constant 5 : i32
    %eq3A_154 = vector.broadcast %eq3A_153 : i32 to vector<64x128xi32>
    %eq3A_155 = arith.cmpi eq, %get3A_1, %eq3A_154 : vector<64x128xi32>
    %convert_element_type3A_156 = arith.extui %eq3A_155 : vector<64x128xi1> to vector<64x128xi32>
    %convert_element_type3A_157 = arith.sitofp %convert_element_type3A_156 : vector<64x128xi32> to vector<64x128xf32>
    %dot_general3A_158 = arith.constant dense<0.000000e+00> : vector<64x128xf32>
    %dot_general3A_159 = tpu.matmul %convert_element_type3A_157, %convert_element_type3A_3, %dot_general3A_158 {dimension_numbers = #tpu.dot_dimension_numbers<[1], [0], [0], [1], [0, 0, 1, 1], [], []>, transpose_lhs_hint = false} : vector<64x128xf32>, vector<128x128xf32>, vector<64x128xf32> -> vector<64x128xf32>
    %reduce_sum3A_160 = arith.constant dense<0.000000e+00> : vector<64xf32>
    %reduce_sum3A_161 = vector.multi_reduction <add>, %convert_element_type3A_157, %reduce_sum3A_160 [1] : vector<64x128xf32> to vector<64xf32>
    %broadcast_in_dim3A_162 = vector.shape_cast %reduce_sum3A_161 : vector<64xf32> to vector<64x1xf32>
    %dot_general3A_163 = arith.constant dense<0.000000e+00> : vector<64x1xf32>
    %dot_general3A_164 = tpu.matmul %convert_element_type3A_7, %broadcast_in_dim3A_162, %dot_general3A_163 {dimension_numbers = #tpu.dot_dimension_numbers<[1], [0], [0], [1], [0, 0, 1, 1], [], []>, transpose_lhs_hint = false} : vector<64x64xf32>, vector<64x1xf32>, vector<64x1xf32> -> vector<64x1xf32>
    %add3A_165 = vector.broadcast %dot_general3A_164 : vector<64x1xf32> to vector<64x128xf32>
    %add3A_166 = arith.addf %add3A_165, %dot_general3A_159 : vector<64x128xf32>
    %sub3A_167 = arith.subf %add3A_166, %convert_element_type3A_157 : vector<64x128xf32>
    %add3A_168 = vector.broadcast %add3A_152 : vector<1x1xf32> to vector<64x128xf32>
    %add3A_169 = arith.addf %add3A_168, %sub3A_167 : vector<64x128xf32>
    %mul3A_170 = arith.mulf %convert_element_type3A_157, %add3A_169 : vector<64x128xf32>
    %add3A_171 = arith.addf %add3A_141, %mul3A_170 : vector<64x128xf32>
    %reduce_sum3A_172 = arith.constant dense<0.000000e+00> : vector<1xf32>
    %reduce_sum3A_173 = vector.multi_reduction <add>, %broadcast_in_dim3A_162, %reduce_sum3A_172 [0] : vector<64x1xf32> to vector<1xf32>
    %broadcast_in_dim3A_174 = vector.shape_cast %reduce_sum3A_173 : vector<1xf32> to vector<1x1xf32>
    %div3A_175 = arith.constant 5.120000e+02 : f32
    %div3A_176 = vector.broadcast %div3A_175 : f32 to vector<1x1xf32>
    %div3A_177 = arith.divf %broadcast_in_dim3A_174, %div3A_176 : vector<1x1xf32>
    %ceil3A_178 = math.ceil %div3A_177 : vector<1x1xf32>
    %mul3A_179 = arith.constant 5.120000e+02 : f32
    %mul3A_180 = vector.broadcast %mul3A_179 : f32 to vector<1x1xf32>
    %mul3A_181 = arith.mulf %ceil3A_178, %mul3A_180 : vector<1x1xf32>
    %add3A_182 = arith.addf %add3A_152, %mul3A_181 : vector<1x1xf32>
    %eq3A_183 = arith.constant 6 : i32
    %eq3A_184 = vector.broadcast %eq3A_183 : i32 to vector<64x128xi32>
    %eq3A_185 = arith.cmpi eq, %get3A_1, %eq3A_184 : vector<64x128xi32>
    %convert_element_type3A_186 = arith.extui %eq3A_185 : vector<64x128xi1> to vector<64x128xi32>
    %convert_element_type3A_187 = arith.sitofp %convert_element_type3A_186 : vector<64x128xi32> to vector<64x128xf32>
    %dot_general3A_188 = arith.constant dense<0.000000e+00> : vector<64x128xf32>
    %dot_general3A_189 = tpu.matmul %convert_element_type3A_187, %convert_element_type3A_3, %dot_general3A_188 {dimension_numbers = #tpu.dot_dimension_numbers<[1], [0], [0], [1], [0, 0, 1, 1], [], []>, transpose_lhs_hint = false} : vector<64x128xf32>, vector<128x128xf32>, vector<64x128xf32> -> vector<64x128xf32>
    %reduce_sum3A_190 = arith.constant dense<0.000000e+00> : vector<64xf32>
    %reduce_sum3A_191 = vector.multi_reduction <add>, %convert_element_type3A_187, %reduce_sum3A_190 [1] : vector<64x128xf32> to vector<64xf32>
    %broadcast_in_dim3A_192 = vector.shape_cast %reduce_sum3A_191 : vector<64xf32> to vector<64x1xf32>
    %dot_general3A_193 = arith.constant dense<0.000000e+00> : vector<64x1xf32>
    %dot_general3A_194 = tpu.matmul %convert_element_type3A_7, %broadcast_in_dim3A_192, %dot_general3A_193 {dimension_numbers = #tpu.dot_dimension_numbers<[1], [0], [0], [1], [0, 0, 1, 1], [], []>, transpose_lhs_hint = false} : vector<64x64xf32>, vector<64x1xf32>, vector<64x1xf32> -> vector<64x1xf32>
    %add3A_195 = vector.broadcast %dot_general3A_194 : vector<64x1xf32> to vector<64x128xf32>
    %add3A_196 = arith.addf %add3A_195, %dot_general3A_189 : vector<64x128xf32>
    %sub3A_197 = arith.subf %add3A_196, %convert_element_type3A_187 : vector<64x128xf32>
    %add3A_198 = vector.broadcast %add3A_182 : vector<1x1xf32> to vector<64x128xf32>
    %add3A_199 = arith.addf %add3A_198, %sub3A_197 : vector<64x128xf32>
    %mul3A_200 = arith.mulf %convert_element_type3A_187, %add3A_199 : vector<64x128xf32>
    %add3A_201 = arith.addf %add3A_171, %mul3A_200 : vector<64x128xf32>
    %reduce_sum3A_202 = arith.constant dense<0.000000e+00> : vector<1xf32>
    %reduce_sum3A_203 = vector.multi_reduction <add>, %broadcast_in_dim3A_192, %reduce_sum3A_202 [0] : vector<64x1xf32> to vector<1xf32>
    %broadcast_in_dim3A_204 = vector.shape_cast %reduce_sum3A_203 : vector<1xf32> to vector<1x1xf32>
    %div3A_205 = arith.constant 5.120000e+02 : f32
    %div3A_206 = vector.broadcast %div3A_205 : f32 to vector<1x1xf32>
    %div3A_207 = arith.divf %broadcast_in_dim3A_204, %div3A_206 : vector<1x1xf32>
    %ceil3A_208 = math.ceil %div3A_207 : vector<1x1xf32>
    %mul3A_209 = arith.constant 5.120000e+02 : f32
    %mul3A_210 = vector.broadcast %mul3A_209 : f32 to vector<1x1xf32>
    %mul3A_211 = arith.mulf %ceil3A_208, %mul3A_210 : vector<1x1xf32>
    %add3A_212 = arith.addf %add3A_182, %mul3A_211 : vector<1x1xf32>
    %eq3A_213 = arith.constant 7 : i32
    %eq3A_214 = vector.broadcast %eq3A_213 : i32 to vector<64x128xi32>
    %eq3A_215 = arith.cmpi eq, %get3A_1, %eq3A_214 : vector<64x128xi32>
    %convert_element_type3A_216 = arith.extui %eq3A_215 : vector<64x128xi1> to vector<64x128xi32>
    %convert_element_type3A_217 = arith.sitofp %convert_element_type3A_216 : vector<64x128xi32> to vector<64x128xf32>
    %dot_general3A_218 = arith.constant dense<0.000000e+00> : vector<64x128xf32>
    %dot_general3A_219 = tpu.matmul %convert_element_type3A_217, %convert_element_type3A_3, %dot_general3A_218 {dimension_numbers = #tpu.dot_dimension_numbers<[1], [0], [0], [1], [0, 0, 1, 1], [], []>, transpose_lhs_hint = false} : vector<64x128xf32>, vector<128x128xf32>, vector<64x128xf32> -> vector<64x128xf32>
    %reduce_sum3A_220 = arith.constant dense<0.000000e+00> : vector<64xf32>
    %reduce_sum3A_221 = vector.multi_reduction <add>, %convert_element_type3A_217, %reduce_sum3A_220 [1] : vector<64x128xf32> to vector<64xf32>
    %broadcast_in_dim3A_222 = vector.shape_cast %reduce_sum3A_221 : vector<64xf32> to vector<64x1xf32>
    %dot_general3A_223 = arith.constant dense<0.000000e+00> : vector<64x1xf32>
    %dot_general3A_224 = tpu.matmul %convert_element_type3A_7, %broadcast_in_dim3A_222, %dot_general3A_223 {dimension_numbers = #tpu.dot_dimension_numbers<[1], [0], [0], [1], [0, 0, 1, 1], [], []>, transpose_lhs_hint = false} : vector<64x64xf32>, vector<64x1xf32>, vector<64x1xf32> -> vector<64x1xf32>
    %add3A_225 = vector.broadcast %dot_general3A_224 : vector<64x1xf32> to vector<64x128xf32>
    %add3A_226 = arith.addf %add3A_225, %dot_general3A_219 : vector<64x128xf32>
    %sub3A_227 = arith.subf %add3A_226, %convert_element_type3A_217 : vector<64x128xf32>
    %add3A_228 = vector.broadcast %add3A_212 : vector<1x1xf32> to vector<64x128xf32>
    %add3A_229 = arith.addf %add3A_228, %sub3A_227 : vector<64x128xf32>
    %mul3A_230 = arith.mulf %convert_element_type3A_217, %add3A_229 : vector<64x128xf32>
    %add3A_231 = arith.addf %add3A_201, %mul3A_230 : vector<64x128xf32>
    %reduce_sum3A_232 = arith.constant dense<0.000000e+00> : vector<1xf32>
    %reduce_sum3A_233 = vector.multi_reduction <add>, %broadcast_in_dim3A_222, %reduce_sum3A_232 [0] : vector<64x1xf32> to vector<1xf32>
    %broadcast_in_dim3A_234 = vector.shape_cast %reduce_sum3A_233 : vector<1xf32> to vector<1x1xf32>
    %div3A_235 = arith.constant 5.120000e+02 : f32
    %div3A_236 = vector.broadcast %div3A_235 : f32 to vector<1x1xf32>
    %div3A_237 = arith.divf %broadcast_in_dim3A_234, %div3A_236 : vector<1x1xf32>
    %ceil3A_238 = math.ceil %div3A_237 : vector<1x1xf32>
    %mul3A_239 = arith.constant 5.120000e+02 : f32
    %mul3A_240 = vector.broadcast %mul3A_239 : f32 to vector<1x1xf32>
    %mul3A_241 = arith.mulf %ceil3A_238, %mul3A_240 : vector<1x1xf32>
    %add3A_242 = arith.addf %add3A_212, %mul3A_241 : vector<1x1xf32>
    %convert_element_type3A_243 = arith.fptosi %add3A_231 : vector<64x128xf32> to vector<64x128xi32>
    %swap3A = arith.constant 0 : index
    %swap3A_244 = arith.constant 0 : index
    %swap3A_245 = vector.load %arg1[%swap3A, %swap3A_244] : memref<64x128xi32, #tpu.memory_space<vmem>>, vector<64x128xi32>
    tpu.vector_store %arg1[%swap3A, %swap3A_244], %convert_element_type3A_243 {strides = array<i32>} : memref<64x128xi32, #tpu.memory_space<vmem>>, vector<64x128xi32>,
    %concatenate3A = tpu.concatenate %add3A_32, %add3A_62, %add3A_92, %add3A_122, %add3A_152, %add3A_182, %add3A_212, %add3A_242 in 1 : vector<1x1xf32>, vector<1x1xf32>, vector<1x1xf32>, vector<1x1xf32>, vector<1x1xf32>, vector<1x1xf32>, vector<1x1xf32>, vector<1x1xf32> -> vector<1x8xf32>
    %iota3A_246 = tpu.iota {dimensions = array<i32: 0>} : vector<24x1xi32>
    %mul3A_247 = arith.constant 512 : i32
    %mul3A_248 = vector.broadcast %mul3A_247 : i32 to vector<24x1xi32>
    %mul3A_249 = arith.muli %iota3A_246, %mul3A_248 : vector<24x1xi32>
    %convert_element_type3A_250 = arith.sitofp %mul3A_249 : vector<24x1xi32> to vector<24x1xf32>
    %le3A_251 = vector.broadcast %concatenate3A : vector<1x8xf32> to vector<24x8xf32>
    %le3A_252 = vector.broadcast %convert_element_type3A_250 : vector<24x1xf32> to vector<24x8xf32>
    %le3A_253 = arith.cmpf ole, %le3A_251, %le3A_252 : vector<24x8xf32>
    %convert_element_type3A_254 = arith.extui %le3A_253 : vector<24x8xi1> to vector<24x8xi32>
    %reduce_sum3A_255 = arith.constant dense<0> : vector<24xi32>
    %reduce_sum3A_256 = vector.multi_reduction <add>, %convert_element_type3A_254, %reduce_sum3A_255 [1] : vector<24x8xi32> to vector<24xi32>
    %broadcast_in_dim3A_257 = vector.shape_cast %reduce_sum3A_256 : vector<24xi32> to vector<24x1xi32>
    %lt3A_258 = vector.broadcast %add3A_242 : vector<1x1xf32> to vector<24x1xf32>
    %lt3A_259 = arith.cmpf olt, %convert_element_type3A_250, %lt3A_258 : vector<24x1xf32>
    %min3A = arith.constant 7 : i32
    %min3A_260 = vector.broadcast %min3A : i32 to vector<24x1xi32>
    %min3A_261 = arith.minsi %broadcast_in_dim3A_257, %min3A_260 : vector<24x1xi32>
    %jit3A = arith.constant -1 : i32
    %broadcast_in_dim3A_262 = vector.broadcast %jit3A : i32 to vector<24x1xi32>
    %select_n3A = arith.select %lt3A_259, %min3A_261, %broadcast_in_dim3A_262 : vector<24x1xi1>, vector<24x1xi32>
    %swap3A_263 = arith.constant 0 : index
    %swap3A_264 = arith.constant 0 : index
    %swap3A_265 = vector.load %arg2[%swap3A_263, %swap3A_264] : memref<24x1xi32, #tpu.memory_space<vmem>>, vector<24x1xi32>
    tpu.vector_store %arg2[%swap3A_263, %swap3A_264], %select_n3A {strides = array<i32>} : memref<24x1xi32, #tpu.memory_space<vmem>>, vector<24x1xi32>,
    return
  }
}

module attributes {stable_mosaic.version = 14 : i64} {
  func.func @_expert_body(%arg0: i32, %arg1: memref<24xi32, #tpu.memory_space<smem>>, %arg2: memref<512x768xf32, #tpu.memory_space<vmem>>, %arg3: memref<8x768x192xbf16, #tpu.memory_space<vmem>>, %arg4: memref<8x1x192xf32, #tpu.memory_space<vmem>>, %arg5: memref<8x192x768xbf16, #tpu.memory_space<vmem>>, %arg6: memref<8x1x768xf32, #tpu.memory_space<vmem>>, %arg7: memref<512x768xf32, #tpu.memory_space<vmem>>) attributes {dimension_semantics = [#tpu.dimension_semantics<arbitrary>], iteration_bounds = array<i64: 24>, scalar_prefetch = 1 : i64, scratch_operands = 0 : i64, tpu.core_type = #tpu.core_type<tc>, window_params = [{transform_indices = @transform_0, window_bounds = array<i64: 512, 768>}, {pipeline_mode = #tpu.pipeline_mode<synchronous>, transform_indices = @transform_1, window_bounds = array<i64: 8, 768, 192>}, {pipeline_mode = #tpu.pipeline_mode<synchronous>, transform_indices = @transform_2, window_bounds = array<i64: 8, 1, 192>}, {pipeline_mode = #tpu.pipeline_mode<synchronous>, transform_indices = @transform_3, window_bounds = array<i64: 8, 192, 768>}, {pipeline_mode = #tpu.pipeline_mode<synchronous>, transform_indices = @transform_4, window_bounds = array<i64: 8, 1, 768>}, {transform_indices = @transform_5, window_bounds = array<i64: 512, 768>}]} {
    %get3A = arith.index_cast %arg0 : i32 to index
    %get3A_0 = memref.load %arg1[%get3A] : memref<24xi32, #tpu.memory_space<smem>>
    %ge3A = arith.constant 0 : i32
    %ge3A_1 = arith.cmpi sge, %get3A_0, %ge3A : i32
    %convert_element_type3A = arith.extui %ge3A_1 : i1 to i32
    %cond3A = arith.constant 0 : i32
    %cond3A_2 = arith.cmpi ne, %convert_element_type3A, %cond3A : i32
    scf.if %cond3A_2 {
      %get3A_3 = arith.index_cast %get3A_0 : i32 to index
      %get3A_4 = arith.constant 0 : index
      %get3A_5 = arith.constant 0 : index
      %get3A_6 = vector.load %arg3[%get3A_3, %get3A_4, %get3A_5] : memref<8x768x192xbf16, #tpu.memory_space<vmem>>, vector<1x768x192xbf16>
      %get3A_7 = vector.shape_cast %get3A_6 : vector<1x768x192xbf16> to vector<768x192xbf16>
      %get3A_8 = arith.index_cast %get3A_0 : i32 to index
      %get3A_9 = arith.constant 0 : index
      %get3A_10 = arith.constant 0 : index
      %get3A_11 = vector.load %arg5[%get3A_8, %get3A_9, %get3A_10] : memref<8x192x768xbf16, #tpu.memory_space<vmem>>, vector<1x192x768xbf16>
      %get3A_12 = vector.shape_cast %get3A_11 : vector<1x192x768xbf16> to vector<192x768xbf16>
      %get3A_13 = arith.index_cast %get3A_0 : i32 to index
      %get3A_14 = arith.constant 0 : index
      %get3A_15 = arith.constant 0 : index
      %get3A_16 = vector.load %arg4[%get3A_13, %get3A_14, %get3A_15] : memref<8x1x192xf32, #tpu.memory_space<vmem>>, vector<1x1x192xf32>
      %get3A_17 = vector.shape_cast %get3A_16 : vector<1x1x192xf32> to vector<1x192xf32>
      %get3A_18 = arith.index_cast %get3A_0 : i32 to index
      %get3A_19 = arith.constant 0 : index
      %get3A_20 = arith.constant 0 : index
      %get3A_21 = vector.load %arg6[%get3A_18, %get3A_19, %get3A_20] : memref<8x1x768xf32, #tpu.memory_space<vmem>>, vector<1x1x768xf32>
      %get3A_22 = vector.shape_cast %get3A_21 : vector<1x1x768xf32> to vector<1x768xf32>
      %get3A_23 = arith.constant 0 : index
      %get3A_24 = arith.constant 0 : index
      %get3A_25 = vector.load %arg2[%get3A_23, %get3A_24] : memref<512x768xf32, #tpu.memory_space<vmem>>, vector<128x768xf32>
      %convert_element_type3A_26 = arith.truncf %get3A_25 : vector<128x768xf32> to vector<128x768xbf16>
      %dot_general3A = arith.constant dense<0.000000e+00> : vector<128x192xf32>
      %dot_general3A_27 = tpu.matmul %convert_element_type3A_26, %get3A_7, %dot_general3A {dimension_numbers = #tpu.dot_dimension_numbers<[1], [0], [0], [1], [0, 0, 1, 1], [], []>, transpose_lhs_hint = false} : vector<128x768xbf16>, vector<768x192xbf16>, vector<128x192xf32> -> vector<128x192xf32>
      %add3A = vector.broadcast %get3A_17 : vector<1x192xf32> to vector<128x192xf32>
      %add3A_28 = arith.addf %dot_general3A_27, %add3A : vector<128x192xf32>
      %mul3A = arith.constant 5.000000e-01 : f32
      %mul3A_29 = vector.broadcast %mul3A : f32 to vector<128x192xf32>
      %mul3A_30 = arith.mulf %add3A_28, %mul3A_29 : vector<128x192xf32>
      %mul3A_31 = arith.constant 0.707106769 : f32
      %mul3A_32 = vector.broadcast %mul3A_31 : f32 to vector<128x192xf32>
      %mul3A_33 = arith.mulf %add3A_28, %mul3A_32 : vector<128x192xf32>
      %erf3A = math.erf %mul3A_33 : vector<128x192xf32>
      %add3A_34 = arith.constant 1.000000e+00 : f32
      %add3A_35 = vector.broadcast %add3A_34 : f32 to vector<128x192xf32>
      %add3A_36 = arith.addf %add3A_35, %erf3A : vector<128x192xf32>
      %mul3A_37 = arith.mulf %mul3A_30, %add3A_36 : vector<128x192xf32>
      %convert_element_type3A_38 = arith.truncf %mul3A_37 : vector<128x192xf32> to vector<128x192xbf16>
      %dot_general3A_39 = arith.constant dense<0.000000e+00> : vector<128x768xf32>
      %dot_general3A_40 = tpu.matmul %convert_element_type3A_38, %get3A_12, %dot_general3A_39 {dimension_numbers = #tpu.dot_dimension_numbers<[1], [0], [0], [1], [0, 0, 1, 1], [], []>, transpose_lhs_hint = false} : vector<128x192xbf16>, vector<192x768xbf16>, vector<128x768xf32> -> vector<128x768xf32>
      %add3A_41 = arith.addf %get3A_25, %dot_general3A_40 : vector<128x768xf32>
      %add3A_42 = vector.broadcast %get3A_22 : vector<1x768xf32> to vector<128x768xf32>
      %add3A_43 = arith.addf %add3A_41, %add3A_42 : vector<128x768xf32>
      %swap3A = arith.constant 0 : index
      %swap3A_44 = arith.constant 0 : index
      %swap3A_45 = vector.load %arg7[%swap3A, %swap3A_44] : memref<512x768xf32, #tpu.memory_space<vmem>>, vector<128x768xf32>
      tpu.vector_store %arg7[%swap3A, %swap3A_44], %add3A_43 {strides = array<i32>} : memref<512x768xf32, #tpu.memory_space<vmem>>, vector<128x768xf32>,
      %get3A_46 = arith.constant 128 : index
      %get3A_47 = arith.constant 0 : index
      %get3A_48 = vector.load %arg2[%get3A_46, %get3A_47] : memref<512x768xf32, #tpu.memory_space<vmem>>, vector<128x768xf32>
      %convert_element_type3A_49 = arith.truncf %get3A_48 : vector<128x768xf32> to vector<128x768xbf16>
      %dot_general3A_50 = arith.constant dense<0.000000e+00> : vector<128x192xf32>
      %dot_general3A_51 = tpu.matmul %convert_element_type3A_49, %get3A_7, %dot_general3A_50 {dimension_numbers = #tpu.dot_dimension_numbers<[1], [0], [0], [1], [0, 0, 1, 1], [], []>, transpose_lhs_hint = false} : vector<128x768xbf16>, vector<768x192xbf16>, vector<128x192xf32> -> vector<128x192xf32>
      %add3A_52 = vector.broadcast %get3A_17 : vector<1x192xf32> to vector<128x192xf32>
      %add3A_53 = arith.addf %dot_general3A_51, %add3A_52 : vector<128x192xf32>
      %mul3A_54 = arith.constant 5.000000e-01 : f32
      %mul3A_55 = vector.broadcast %mul3A_54 : f32 to vector<128x192xf32>
      %mul3A_56 = arith.mulf %add3A_53, %mul3A_55 : vector<128x192xf32>
      %mul3A_57 = arith.constant 0.707106769 : f32
      %mul3A_58 = vector.broadcast %mul3A_57 : f32 to vector<128x192xf32>
      %mul3A_59 = arith.mulf %add3A_53, %mul3A_58 : vector<128x192xf32>
      %erf3A_60 = math.erf %mul3A_59 : vector<128x192xf32>
      %add3A_61 = arith.constant 1.000000e+00 : f32
      %add3A_62 = vector.broadcast %add3A_61 : f32 to vector<128x192xf32>
      %add3A_63 = arith.addf %add3A_62, %erf3A_60 : vector<128x192xf32>
      %mul3A_64 = arith.mulf %mul3A_56, %add3A_63 : vector<128x192xf32>
      %convert_element_type3A_65 = arith.truncf %mul3A_64 : vector<128x192xf32> to vector<128x192xbf16>
      %dot_general3A_66 = arith.constant dense<0.000000e+00> : vector<128x768xf32>
      %dot_general3A_67 = tpu.matmul %convert_element_type3A_65, %get3A_12, %dot_general3A_66 {dimension_numbers = #tpu.dot_dimension_numbers<[1], [0], [0], [1], [0, 0, 1, 1], [], []>, transpose_lhs_hint = false} : vector<128x192xbf16>, vector<192x768xbf16>, vector<128x768xf32> -> vector<128x768xf32>
      %add3A_68 = arith.addf %get3A_48, %dot_general3A_67 : vector<128x768xf32>
      %add3A_69 = vector.broadcast %get3A_22 : vector<1x768xf32> to vector<128x768xf32>
      %add3A_70 = arith.addf %add3A_68, %add3A_69 : vector<128x768xf32>
      %swap3A_71 = arith.constant 128 : index
      %swap3A_72 = arith.constant 0 : index
      %swap3A_73 = vector.load %arg7[%swap3A_71, %swap3A_72] : memref<512x768xf32, #tpu.memory_space<vmem>>, vector<128x768xf32>
      tpu.vector_store %arg7[%swap3A_71, %swap3A_72], %add3A_70 {strides = array<i32>} : memref<512x768xf32, #tpu.memory_space<vmem>>, vector<128x768xf32>,
      %get3A_74 = arith.constant 256 : index
      %get3A_75 = arith.constant 0 : index
      %get3A_76 = vector.load %arg2[%get3A_74, %get3A_75] : memref<512x768xf32, #tpu.memory_space<vmem>>, vector<128x768xf32>
      %convert_element_type3A_77 = arith.truncf %get3A_76 : vector<128x768xf32> to vector<128x768xbf16>
      %dot_general3A_78 = arith.constant dense<0.000000e+00> : vector<128x192xf32>
      %dot_general3A_79 = tpu.matmul %convert_element_type3A_77, %get3A_7, %dot_general3A_78 {dimension_numbers = #tpu.dot_dimension_numbers<[1], [0], [0], [1], [0, 0, 1, 1], [], []>, transpose_lhs_hint = false} : vector<128x768xbf16>, vector<768x192xbf16>, vector<128x192xf32> -> vector<128x192xf32>
      %add3A_80 = vector.broadcast %get3A_17 : vector<1x192xf32> to vector<128x192xf32>
      %add3A_81 = arith.addf %dot_general3A_79, %add3A_80 : vector<128x192xf32>
      %mul3A_82 = arith.constant 5.000000e-01 : f32
      %mul3A_83 = vector.broadcast %mul3A_82 : f32 to vector<128x192xf32>
      %mul3A_84 = arith.mulf %add3A_81, %mul3A_83 : vector<128x192xf32>
      %mul3A_85 = arith.constant 0.707106769 : f32
      %mul3A_86 = vector.broadcast %mul3A_85 : f32 to vector<128x192xf32>
      %mul3A_87 = arith.mulf %add3A_81, %mul3A_86 : vector<128x192xf32>
      %erf3A_88 = math.erf %mul3A_87 : vector<128x192xf32>
      %add3A_89 = arith.constant 1.000000e+00 : f32
      %add3A_90 = vector.broadcast %add3A_89 : f32 to vector<128x192xf32>
      %add3A_91 = arith.addf %add3A_90, %erf3A_88 : vector<128x192xf32>
      %mul3A_92 = arith.mulf %mul3A_84, %add3A_91 : vector<128x192xf32>
      %convert_element_type3A_93 = arith.truncf %mul3A_92 : vector<128x192xf32> to vector<128x192xbf16>
      %dot_general3A_94 = arith.constant dense<0.000000e+00> : vector<128x768xf32>
      %dot_general3A_95 = tpu.matmul %convert_element_type3A_93, %get3A_12, %dot_general3A_94 {dimension_numbers = #tpu.dot_dimension_numbers<[1], [0], [0], [1], [0, 0, 1, 1], [], []>, transpose_lhs_hint = false} : vector<128x192xbf16>, vector<192x768xbf16>, vector<128x768xf32> -> vector<128x768xf32>
      %add3A_96 = arith.addf %get3A_76, %dot_general3A_95 : vector<128x768xf32>
      %add3A_97 = vector.broadcast %get3A_22 : vector<1x768xf32> to vector<128x768xf32>
      %add3A_98 = arith.addf %add3A_96, %add3A_97 : vector<128x768xf32>
      %swap3A_99 = arith.constant 256 : index
      %swap3A_100 = arith.constant 0 : index
      %swap3A_101 = vector.load %arg7[%swap3A_99, %swap3A_100] : memref<512x768xf32, #tpu.memory_space<vmem>>, vector<128x768xf32>
      tpu.vector_store %arg7[%swap3A_99, %swap3A_100], %add3A_98 {strides = array<i32>} : memref<512x768xf32, #tpu.memory_space<vmem>>, vector<128x768xf32>,
      %get3A_102 = arith.constant 384 : index
      %get3A_103 = arith.constant 0 : index
      %get3A_104 = vector.load %arg2[%get3A_102, %get3A_103] : memref<512x768xf32, #tpu.memory_space<vmem>>, vector<128x768xf32>
      %convert_element_type3A_105 = arith.truncf %get3A_104 : vector<128x768xf32> to vector<128x768xbf16>
      %dot_general3A_106 = arith.constant dense<0.000000e+00> : vector<128x192xf32>
      %dot_general3A_107 = tpu.matmul %convert_element_type3A_105, %get3A_7, %dot_general3A_106 {dimension_numbers = #tpu.dot_dimension_numbers<[1], [0], [0], [1], [0, 0, 1, 1], [], []>, transpose_lhs_hint = false} : vector<128x768xbf16>, vector<768x192xbf16>, vector<128x192xf32> -> vector<128x192xf32>
      %add3A_108 = vector.broadcast %get3A_17 : vector<1x192xf32> to vector<128x192xf32>
      %add3A_109 = arith.addf %dot_general3A_107, %add3A_108 : vector<128x192xf32>
      %mul3A_110 = arith.constant 5.000000e-01 : f32
      %mul3A_111 = vector.broadcast %mul3A_110 : f32 to vector<128x192xf32>
      %mul3A_112 = arith.mulf %add3A_109, %mul3A_111 : vector<128x192xf32>
      %mul3A_113 = arith.constant 0.707106769 : f32
      %mul3A_114 = vector.broadcast %mul3A_113 : f32 to vector<128x192xf32>
      %mul3A_115 = arith.mulf %add3A_109, %mul3A_114 : vector<128x192xf32>
      %erf3A_116 = math.erf %mul3A_115 : vector<128x192xf32>
      %add3A_117 = arith.constant 1.000000e+00 : f32
      %add3A_118 = vector.broadcast %add3A_117 : f32 to vector<128x192xf32>
      %add3A_119 = arith.addf %add3A_118, %erf3A_116 : vector<128x192xf32>
      %mul3A_120 = arith.mulf %mul3A_112, %add3A_119 : vector<128x192xf32>
      %convert_element_type3A_121 = arith.truncf %mul3A_120 : vector<128x192xf32> to vector<128x192xbf16>
      %dot_general3A_122 = arith.constant dense<0.000000e+00> : vector<128x768xf32>
      %dot_general3A_123 = tpu.matmul %convert_element_type3A_121, %get3A_12, %dot_general3A_122 {dimension_numbers = #tpu.dot_dimension_numbers<[1], [0], [0], [1], [0, 0, 1, 1], [], []>, transpose_lhs_hint = false} : vector<128x192xbf16>, vector<192x768xbf16>, vector<128x768xf32> -> vector<128x768xf32>
      %add3A_124 = arith.addf %get3A_104, %dot_general3A_123 : vector<128x768xf32>
      %add3A_125 = vector.broadcast %get3A_22 : vector<1x768xf32> to vector<128x768xf32>
      %add3A_126 = arith.addf %add3A_124, %add3A_125 : vector<128x768xf32>
      %swap3A_127 = arith.constant 384 : index
      %swap3A_128 = arith.constant 0 : index
      %swap3A_129 = vector.load %arg7[%swap3A_127, %swap3A_128] : memref<512x768xf32, #tpu.memory_space<vmem>>, vector<128x768xf32>
      tpu.vector_store %arg7[%swap3A_127, %swap3A_128], %add3A_126 {strides = array<i32>} : memref<512x768xf32, #tpu.memory_space<vmem>>, vector<128x768xf32>,
    } else {
    }
    return
  }
  func.func @transform_0(%arg0: i32, %arg1: memref<24xi32, #tpu.memory_space<smem>>) -> (i32, i32) {
    %c0_i32 = arith.constant 0 : i32
    %c0_i32_0 = arith.constant 0 : i32
    return %arg0, %c0_i32 : i32, i32
  }
  func.func @transform_1(%arg0: i32, %arg1: memref<24xi32, #tpu.memory_space<smem>>) -> (i32, i32, i32) {
    %c0_i32 = arith.constant 0 : i32
    %c0_i32_0 = arith.constant 0 : i32
    %c0_i32_1 = arith.constant 0 : i32
    %c0_i32_2 = arith.constant 0 : i32
    return %c0_i32, %c0_i32_0, %c0_i32_1 : i32, i32, i32
  }
  func.func @transform_2(%arg0: i32, %arg1: memref<24xi32, #tpu.memory_space<smem>>) -> (i32, i32, i32) {
    %c0_i32 = arith.constant 0 : i32
    %c0_i32_0 = arith.constant 0 : i32
    %c0_i32_1 = arith.constant 0 : i32
    %c0_i32_2 = arith.constant 0 : i32
    return %c0_i32, %c0_i32_0, %c0_i32_1 : i32, i32, i32
  }
  func.func @transform_3(%arg0: i32, %arg1: memref<24xi32, #tpu.memory_space<smem>>) -> (i32, i32, i32) {
    %c0_i32 = arith.constant 0 : i32
    %c0_i32_0 = arith.constant 0 : i32
    %c0_i32_1 = arith.constant 0 : i32
    %c0_i32_2 = arith.constant 0 : i32
    return %c0_i32, %c0_i32_0, %c0_i32_1 : i32, i32, i32
  }
  func.func @transform_4(%arg0: i32, %arg1: memref<24xi32, #tpu.memory_space<smem>>) -> (i32, i32, i32) {
    %c0_i32 = arith.constant 0 : i32
    %c0_i32_0 = arith.constant 0 : i32
    %c0_i32_1 = arith.constant 0 : i32
    %c0_i32_2 = arith.constant 0 : i32
    return %c0_i32, %c0_i32_0, %c0_i32_1 : i32, i32, i32
  }
  func.func @transform_5(%arg0: i32, %arg1: memref<24xi32, #tpu.memory_space<smem>>) -> (i32, i32) {
    %c0_i32 = arith.constant 0 : i32
    %c0_i32_0 = arith.constant 0 : i32
    return %arg0, %c0_i32 : i32, i32
  }
}

</mosaic_0001>

<sc_bundles>
// kernel: kernel.10.cloned.1.call-start
scs
__scs_entry_jumppad:
0x0: {  	(pc) =	sbr.rel $0x88, $3  }
0x1: {  	(tag) =	ssettag $0x0;
	lr =	simm.s32 $0x1  }
0x2: {  	[smem:$0x3F9A] =	sst lr;
	_ =	strace $0xD0000000  }
0x3: {  	_ = 	snop  }
0x4: {  	_ = 	snop  }
0x5: {  	_ = 	snop  }
0x6: {  	_ = 	snop  }
0x7: {  	_ = 	snop  }
__scs_overlays_trampoline_lowered:
0x8: {  	[smem:$0x3FA9] =	sst s0  }
0x9: {  	[smem:$0x3FAA] =	sst s1  }
0xa: {  	[smem:$0x3FAB] =	sst s2  }
0xb: {  	[smem:$0x3FAC] =	sst s3  }
0xc: {  	[smem:$0x3FAD] =	sst s4  }
0xd: {  	[smem:$0x3FAE] =	sst s5  }
0xe: {  	[smem:$0x3FAF] =	sst s6  }
0xf: {  	[smem:$0x3FB0] =	sst s7  }
0x10: {  	[smem:$0x3FB1] =	sst s8  }
0x11: {  	[smem:$0x3FB2] =	sst s9;
	s0 =	simm.s32 @!p0 $0x0  }
0x12: {  	s1 =	sld [smem:$0x3F98];
	s0 =	simm.s32 @p0 $0x1  }
0x13: {  	[smem:$0x3FB3] =	sst s0;
	s0 =	simm.s32 @!p1 $0x0  }
0x14: {  	s2 =	sld [smem:$0x3F97];
	s0 =	simm.s32 @p1 $0x1  }
0x15: {  	[smem:$0x3FB4] =	sst s0;
	s0 =	simm.s32 @!p2 $0x0  }
0x16: {  	s3 =	sld [smem:$0x3FDB];
	s0 =	simm.s32 @p2 $0x1  }
0x17: {  	s4 =	simm.s32 $0x1BF5;
	[smem:$0x3FB6] =	sst s0  }
0x18: {  	s0 =	sld [smem:$0x3F99];
	_ =	swait.ge [sflag:s4], $0x0  }
0x19: {  	s7 =	sld [smem:$0x3F9A]  }
0x1a: {  	s8 =	sadd.s32 $0xFFFFE003, lr  }
0x1b: {  	s9 =	sadd.s32 $0xFFFFFEF7, lr;
	s5 =	simm.s32 $0xFFFFFFFF;
	p2 =	slt.u32 s8, $0xFFFFF086  }
0x1c: {  	p1 =	slt.u32 s9, $0xF7A;
	s5 =	simm.s32 @!p2 $0x0  }
0x1d: {  	s5 =	simm.s32 @p1 $0x1;
	p0 =	seq.s32 s7, s2  }
0x1e: {  	s7 =	smul.u32 @!p0 $0xF7A, s2;
	p2 =	seq.s32 @!p0 s5, $0x0  }
0x1f: {  	s9 =	smul.u32 $0xF7A, s1;
	s8 =	simm.s32 @!p0 $0x1BF5;
	p2 =	por !p2, p0  }
0x20: {  	[sflag:s8] =	ssyncset.s32 @!p0 $0xFFFFF086;
	s6 =	sadd.s32 @!p0 s3, s7;
	s7 =	simm.s32 @!p0 $0x108  }
0x21: {  	s3 =	sadd.s32 s3, s9;
	s6 =	sadd.s32 @!p0 $0x88, s6;
	s7 =	simm.s32 @p2 $0x1082  }
0x22: {  	[simem:s7], [sflag:s8] =	dma.local @!p0 [hbm:s6], $0xF7A  }
0x23: {  	s9 =	sor.u32 $0xD0000000, s2;
	s6 =	simm.s32 $0x108;
	_ =	swait.ge @!p0 [sflag:s8], $0x0  }
0x24: {  	s3 =	sadd.s32 $0x88, s3;
	s6 =	simm.s32 @!p1 $0x1082;
	[sflag:s4] =	ssyncset.s32 $0xFFFFF086  }
0x25: {  	[simem:s6], [sflag:s4] =	dma.local [hbm:s3], $0xF7A  }
0x26: {  	[smem:$0x3F9A] =	sst s1;
	(tag) =	ssettag s2;
	_ =	strace s9  }
0x27: {  	s1 =	sld [smem:$0x3FAA]  }
0x28: {  	s2 =	sld [smem:$0x3FAB]  }
0x29: {  	s4 =	sld [smem:$0x3FAD]  }
0x2a: {  	p0 =	seq.s32 s5, $0x0;
	s5 =	sld [smem:$0x3FAE]  }
0x2b: {  	s6 =	sld [smem:$0x3FAF]  }
0x2c: {  	s7 =	sld [smem:$0x3FB0]  }
0x2d: {  	s3 =	simm.s32 $0x108;
	s8 =	sld [smem:$0x3FB1]  }
0x2e: {  	s3 =	simm.s32 @!p0 $0x1082;
	s9 =	sld [smem:$0x3FB2]  }
0x2f: {  	lr =	sadd.s32 s0, s3;
	s0 =	sld [smem:$0x3FA9]  }
0x30: {  	s3 =	sld [smem:$0x3FAC]  }
0x31: {  	[smem:$0x3FB5] =	sst s10  }
0x32: {  	s10 =	sld [smem:$0x3FB3];
	_ =	sdelay $0x3  }
0x33: {  	p0 =	seq.s32 s10, $0x1;
	s10 =	sld [smem:$0x3FB5];
	_ =	sdelay $0x3  }
0x34: {  	[smem:$0x3FB5] =	sst s10  }
0x35: {  	s10 =	sld [smem:$0x3FB4];
	_ =	sdelay $0x3  }
0x36: {  	p1 =	seq.s32 s10, $0x1;
	s10 =	sld [smem:$0x3FB5];
	_ =	sdelay $0x3  }
0x37: {  	[smem:$0x3FB5] =	sst s10  }
0x38: {  	s10 =	sld [smem:$0x3FB6]  }
0x39: {  	_ = 	snop;
	(pc) =	sbr.ind lr, $3  }
0x3a: {  	_ = 	snop  }
0x3b: {  	_ = 	snop  }
0x3c: {  	p2 =	seq.s32 s10, $0x1;
	s10 =	sld [smem:$0x3FB5]  }
0x3d: {  	_ =	shalt  }
0x3e: {  	_ =	shalt  }
0x3f: {  	_ =	shalt  }
0x40: {  	_ =	shalt  }
0x41: {  	_ =	shalt  }
0x42: {  	_ =	shalt  }
0x43: {  	_ =	shalt  }
0x44: {  	_ =	shalt  }
0x45: {  	_ =	shalt  }
0x46: {  	_ =	shalt  }
0x47: {  	_ =	shalt  }
0x48: {  	_ =	shalt  }
0x49: {  	_ =	shalt  }
0x4a: {  	_ =	shalt  }
0x4b: {  	_ =	shalt  }
0x4c: {  	_ =	shalt  }
0x4d: {  	_ =	shalt  }
0x4e: {  	_ =	shalt  }
0x4f: {  	_ =	shalt  }
0x50: {  	_ =	shalt  }
0x51: {  	_ =	shalt  }
0x52: {  	_ =	shalt  }
0x53: {  	_ =	shalt  }
0x54: {  	_ =	shalt  }
0x55: {  	_ =	shalt  }
0x56: {  	_ =	shalt  }
0x57: {  	_ =	shalt  }
0x58: {  	_ =	shalt  }
0x59: {  	_ =	shalt  }
0x5a: {  	_ =	shalt  }
0x5b: {  	_ =	shalt  }
0x5c: {  	_ =	shalt  }
0x5d: {  	_ =	shalt  }
0x5e: {  	_ =	shalt  }
0x5f: {  	_ =	shalt  }
0x60: {  	_ =	shalt  }
0x61: {  	_ =	shalt  }
0x62: {  	_ =	shalt  }
0x63: {  	_ =	shalt  }
0x64: {  	_ =	shalt  }
0x65: {  	_ =	shalt  }
0x66: {  	_ =	shalt  }
0x67: {  	_ =	shalt  }
0x68: {  	_ =	shalt  }
0x69: {  	_ =	shalt  }
0x6a: {  	_ =	shalt  }
0x6b: {  	_ =	shalt  }
0x6c: {  	_ =	shalt  }
0x6d: {  	_ =	shalt  }
0x6e: {  	_ =	shalt  }
0x6f: {  	_ =	shalt  }
0x70: {  	_ =	shalt  }
0x71: {  	_ =	shalt  }
0x72: {  	_ =	shalt  }
0x73: {  	_ =	shalt  }
0x74: {  	_ =	shalt  }
0x75: {  	_ =	shalt  }
0x76: {  	_ =	shalt  }
0x77: {  	_ =	shalt  }
0x78: {  	_ =	shalt  }
0x79: {  	_ =	shalt  }
0x7a: {  	_ =	shalt  }
0x7b: {  	_ =	shalt  }
0x7c: {  	_ =	shalt  }
0x7d: {  	_ =	shalt  }
0x7e: {  	_ =	shalt  }
0x7f: {  	_ =	shalt  }
0x80: {  	_ =	shalt  }
0x81: {  	_ =	shalt  }
0x82: {  	_ =	shalt  }
0x83: {  	_ =	shalt  }
0x84: {  	_ =	shalt  }
0x85: {  	_ =	shalt  }
0x86: {  	_ =	shalt  }
0x87: {  	_ =	shalt  }
.Lfunc_end0:
.L_simem_size_0:
called_computation.1_lowered:
.L_overlay_start_0:
0x88: {  	s2 =	sld [smem:$0x3FD9]  }
0x89: {  	s3 =	sld [smem:$0x3FFE];
	_ =	sdelay $0x1  }
0x8a: {  	s1 =	srdreg.scid  }
0x8b: {  	s0 =	sand.u32 $0x1, s1  }
0x8c: {  	s17 =	sshll.u32 s0, $0xA;
	s2 =	sadd.s32 s3, s2  }
0x8d: {  	s2 =	sadd.s32 s2, s17  }
0x8e: {  	[smem:$0x3FC1] =	sst s2  }
0x8f: {  	_ = 	snop  }
0x90: {  	s2 =	sld [smem:$0x3FD0];
	(tm) =	ssettm $0x1  }
0x91: {  	s18 =	sld [smem:$0x3FFB];
	_ =	sdelay $0x3  }
0x92: {  	_ =	strace s18  }
0x93: {  	s3 =	sld [smem:$0x3FFC];
	_ =	sdelay $0x3  }
0x94: {  	_ =	strace s3  }
0x95: {  	s3 =	sld [smem:$0x3FFD];
	_ =	sdelay $0x3  }
0x96: {  	_ =	strace s3  }
0x97: {  	_ =	strace $0x8FFFFFFF  }
0x98: {  	s19 =	sld [smem:$0x3FDB];
	_ =	sdelay $0x1  }
0x99: {  	s4 =	simm.s32 $_scs_section_size  }
0x9a: {  	s5 =	simm.s32 $_size__tile_overlayer_lowered;
	s6 =	simm.s32 $_tile_overlayer_lowered  }
0x9b: {  	s22 =	simm.s32 $0x1BFF;
	s21 =	sshll.u32 s6, $0x1;
	s3 =	sadd.s32 s4, s19  }
0x9c: {  	s7 =	simm.s32 $0x0;
	s20 =	sshll.u32 s5, $0x1;
	s5 =	sadd.s32 s21, s3  }
0x9d: {  	[timem:s7], [sflag:s22] =	dma.local [hbm:s5], s20  }
0x9e: {  	_ =	swait.ge [sflag:s22], s20  }
0x9f: {  	s4 =	ssub.s32 $0x0, s20;
	[sflag:s22] =	ssyncset.done $0x0  }
0xa0: {  	[sflag:s22] =	ssyncadd.s32 s4;
	_ =	sdelay $0x1  }
0xa1: {  	s23 =	simm.s32 $0x1B8B  }
0xa2: {  	_ =	swait.ge [sflag:s23], $0x1  }
0xa3: {  	[sflag:s23] =	ssyncset.done $0x0  }
0xa4: {  	s25 =	simm.s32 $0x1B8E;
	s24 =	sld [smem:$0x3FFE];
	[sflag:s23] =	ssyncadd.s32 $0xFFFFFFFF  }
0xa5: {  	s26 =	simm.s32 $execute0_lowered;
	[smem:$0x3FD2] =	sst s25  }
0xa6: {  	s5 =	sshll.u32 s26, $0x1;
	_ =	strace $0x80000049;
	[dreg:$0x1] =	wrdreg $0xFFFFFFFF  }
0xa7: {  	s28 =	simm.s32 $_size_execute0_lowered;
	s3 =	sadd.s32 s3, s5;
	[dreg:$0x0] =	wrdreg $0x0  }
0xa8: {  	s5 =	sshll.u32 s28, $0x1;
	[dreg:$0x2] =	wrdreg s3  }
0xa9: {  	[dreg:$0x3] =	wrdreg s5  }
0xaa: {  	[dreg:$0x4] =	wrdreg $0xC0  }
0xab: {  	_ =	task [dreg:s7], $0x5FFFF  }
0xac: {  	[dreg:$0x1] =	wrdreg $0xFFFFFFFF  }
0xad: {  	[dreg:$0x0] =	wrdreg $0x60  }
0xae: {  	[dreg:$0x2] =	wrdreg s24  }
0xaf: {  	[dreg:$0x3] =	wrdreg s2  }
0xb0: {  	[dreg:$0x4] =	wrdreg $0x9  }
0xb1: {  	_ =	task.clear_ibuf [dreg:s7], $0x5FFFF;
	_ =	strace $0x90000049  }
0xb2: {  	s29 =	simm.s32 $0x9;
	_ =	strace $0x8000004B  }
0xb3: {  	_ =	swait.ge [sflag:s29], $0x1  }
0xb4: {  	[sflag:s29] =	ssyncadd.s32 $0xFFFFFFFF  }
0xb5: {  	_ =	strace $0x9000004B  }
0xb6: {  	_ =	sfence  }
0xb7: {  	s30 =	sld [smem:$0x0];
	_ =	sdelay $0x2  }
0xb8: {  	s31 =	sshll.u32 s1, $0xD;
	s1 =	sshrl.u32 s1, $0x2  }
0xb9: {  	s3 =	sand.u32 $0x4000, s31;
	s1 =	sadd.s32 s1, s30  }
0xba: {  	s0 =	sor.u32 s3, s0;
	s1 =	sshll.u32 s1, $0x11  }
0xbb: {  	s0 =	sor.u32 s1, s0  }
0xbc: {  	s0 =	sadd.s32 $0x8F2B, s0  }
0xbd: {  	[sflag:s0] =	ssyncadd.remote.s32 $0x1  }
0xbe: {  	_ =	sfence.sel $0xFFFF  }
0xbf: {  	[dreg:$0x0] =	wrdreg $0xFFFFFFFF;
	(pc) =	sbr.abs _section_cstart, $3  }
0xc0: {  	[dreg:$0x1] =	wrdreg $0xFFFFFFFF  }
0xc1: {  	_ =	task.clear_ibuf [dreg:s7], $0x2FFFF;
	_ =	strace $0x9FFFFFFF  }
0xc2: {  	(tm) =	ssettm $0x7FFFFFFF  }
0xc3: {  	_ =	shalt  }
tec
execute0_lowered:
.L_overlay_start_1:
0x0: {  	(tag) =	ssettag $0x1  }
0x1: {  	s0 =	rddreg [dreg:$0x0]  }
0x2: {  	s1 =	rddreg [dreg:$0x1];
	s2 =	simm.s32 $0x0;
	s3 =	srdreg.scid  }
0x3: {  	s4 =	stileid.u32;
	s26 =	simm.s32 $0x80;
	s11 =	simm.s32 $0x900  }
0x4: {  	s12 =	simm.s32 $0x1100;
	s13 =	simm.s32 $0x1900;
	s14 =	simm.s32 $0x2100  }
0x5: {  	s15 =	simm.s32 $0x2900;
	s16 =	simm.s32 $0x3100;
	s17 =	simm.s32 $0x3900  }
0x6: {  	s18 =	simm.s32 $0x4100;
	s19 =	simm.s32 $0x4900;
	s20 =	simm.s32 $0x5100  }
0x7: {  	s28 =	simm.s32 $0x8900;
	s29 =	simm.s32 $0x9100;
	s30 =	simm.s32 $0x9900  }
0x8: {  	s31 =	simm.s32 $0xA100;
	[smem:$0x7FF] =	sst s2;
	s3 =	sand.u32 $0x1, s3  }
0x9: {  	s4 =	sshll.u32 s4, $0x6;
	s6 =	sadd.s32 $0x1E00, s0;
	_ =	strace $0x8000004A  }
0xa: {  	s5 =	sshll.u32 s3, $0x5;
	s7 =	ssub.s32 $0x2, s3;
	s3 =	sadd.s32 $0x122200, s0  }
0xb: {  	[dreg:$0x7] =	wrdreg s26;
	s26 =	simm.s32 $0x8100;
	s4 =	sor.u32 s5, s4  }
0xc: {  	s21 =	sshrl.u32 s7, $0x1;
	s5 =	sadd.s32 $0x122400, s0;
	s8 =	smul.u32 $0x300, s4  }
0xd: {  	s7 =	ssub.s32 s7, s21;
	s22 =	sadd.s32 s6, s4;
	s9 =	sor.u32 $0x10, s4  }
0xe: {  	s4 =	sadd.s32 $0x122300, s0;
	s21 =	simm.s32 $0x5900;
	[dreg:$0x3] =	wrdreg s22  }
0xf: {  	s24 =	smul.u32 $0x300, s9;
	s6 =	sadd.s32 s6, s9;
	s22 =	simm.s32 $0x6100  }
0x10: {  	s23 =	sadd.s32 s1, s8;
	[dreg:$0x5] =	wrdreg s6;
	s6 =	smax.u32 s7, $0x1  }
0x11: {  	v2 =	vlaneseq.u32;
	s7 =	simm.s32 $0x2;
	s8 =	simm.s32 $0xB100;
	[dreg:$0x4] =	wrdreg s23  }
0x12: {  	vm0 =	vmmov $0xffff;
	v1 =	vshrl.u32 v2, $0x3;
	s25 =	sadd.s32 s1, s24;
	s1 =	simm.s32 $0x1;
	s23 =	simm.s32 $0x6900  }
0x13: {  	v0 =	vand.u32 $0x7, v2;
	v2 =	vor.u32 $0x8, v2;
	v1 =	vmul.u32 $0x8, v1;
	s24 =	simm.s32 $0x7100;
	[dreg:$0x6] =	wrdreg s25;
	s25 =	simm.s32 $0x7900  }
.LBB2_1:
0x14: {  	s9 =	rddreg [dreg:$0x3]  }
0x15: {  	[tilespmem:s2], [sflag:$0x2] =	stream.linear.gather [hbm4b:s9+s2], $0x80, $0x38;
	[tilespmem:$0x18100] =	vst v63  }
0x16: {  	_ =	swait.ge [sflag:s7], $0x80  }
0x17: {  	[sflag:s7] =	ssyncset.done $0x0  }
0x18: {  	[sflag:s7] =	ssyncadd.s32 $0xFFFFFF80  }
0x19: {  	v3 =	vld [tilespmem:$0x0];
	_ =	sdelay $0x4  }
0x1a: {  	v4 =	vshrl.u32 v3, $0x3  }
0x1b: {  	v4 =	vmul.u32 $0x30, v4  }
0x1c: {  	v3 =	vand.u32 $0x7, v3  }
0x1d: {  	v3 =	vor.u32 v3, v4  }
0x1e: {  	v4 =	vperm.xlane v3, v0;
	_ =	sdelay $0x1  }
0x1f: {  	v4 =	vadd.s32 v1, v4;
	_ =	sdelay $0x3  }
0x20: {  	s0 =	simm.s32 $0x100;
	v3 =	vperm.xlane v3, v2  }
0x21: {  	[tilespmem:s0], [sflag:$0x1] =	stream.indirect_vreg.gather [hbm4b:s3+s2], $0x80, v4, vm0, $0xb8;
	[tilespmem:$0x18100] =	vst v63  }
0x22: {  	v3 =	vadd.s32 v1, v3  }
0x23: {  	[tilespmem:s11], [sflag:$0x1] =	stream.indirect_vreg.gather [hbm4b:s4+s2], $0x80, v4, vm0, $0xb8;
	[tilespmem:$0x18100] =	vst v63  }
0x24: {  	_ = 	snop  }
0x25: {  	[tilespmem:s12], [sflag:$0x1] =	stream.indirect_vreg.gather [hbm4b:s5+s2], $0x80, v4, vm0, $0xb8;
	[tilespmem:$0x18100] =	vst v63  }
0x26: {  	_ = 	snop  }
0x27: {  	[tilespmem:s13], [sflag:$0x1] =	stream.indirect_vreg.gather [hbm4b:s3+s2], $0x80, v3, vm0, $0xb8;
	[tilespmem:$0x18100] =	vst v63  }
0x28: {  	_ = 	snop  }
0x29: {  	[tilespmem:s14], [sflag:$0x1] =	stream.indirect_vreg.gather [hbm4b:s4+s2], $0x80, v3, vm0, $0xb8;
	[tilespmem:$0x18100] =	vst v63  }
0x2a: {  	_ = 	snop  }
0x2b: {  	[tilespmem:s15], [sflag:$0x1] =	stream.indirect_vreg.gather [hbm4b:s5+s2], $0x80, v3, vm0, $0xb8;
	[tilespmem:$0x18100] =	vst v63  }
0x2c: {  	v3 =	vld [tilespmem:$0x10];
	_ =	sdelay $0x4  }
0x2d: {  	v49 =	vshrl.u32 v3, $0x3  }
0x2e: {  	v4 =	vmul.u32 $0x30, v49  }
0x2f: {  	v3 =	vand.u32 $0x7, v3  }
0x30: {  	v3 =	vor.u32 v3, v4  }
0x31: {  	v4 =	vperm.xlane v3, v0;
	_ =	sdelay $0x1  }
0x32: {  	v4 =	vadd.s32 v1, v4;
	_ =	sdelay $0x3  }
0x33: {  	v3 =	vperm.xlane v3, v2  }
0x34: {  	[tilespmem:s16], [sflag:$0x1] =	stream.indirect_vreg.gather [hbm4b:s3+s2], $0x80, v4, vm0, $0xb8;
	[tilespmem:$0x18100] =	vst v63  }
0x35: {  	v3 =	vadd.s32 v1, v3  }
0x36: {  	[tilespmem:s17], [sflag:$0x1] =	stream.indirect_vreg.gather [hbm4b:s4+s2], $0x80, v4, vm0, $0xb8;
	[tilespmem:$0x18100] =	vst v63  }
0x37: {  	_ = 	snop  }
0x38: {  	[tilespmem:s18], [sflag:$0x1] =	stream.indirect_vreg.gather [hbm4b:s5+s2], $0x80, v4, vm0, $0xb8;
	[tilespmem:$0x18100] =	vst v63  }
0x39: {  	_ = 	snop  }
0x3a: {  	[tilespmem:s19], [sflag:$0x1] =	stream.indirect_vreg.gather [hbm4b:s3+s2], $0x80, v3, vm0, $0xb8;
	[tilespmem:$0x18100] =	vst v63  }
0x3b: {  	_ = 	snop  }
0x3c: {  	[tilespmem:s20], [sflag:$0x1] =	stream.indirect_vreg.gather [hbm4b:s4+s2], $0x80, v3, vm0, $0xb8;
	[tilespmem:$0x18100] =	vst v63  }
0x3d: {  	_ = 	snop  }
0x3e: {  	[tilespmem:s21], [sflag:$0x1] =	stream.indirect_vreg.gather [hbm4b:s5+s2], $0x80, v3, vm0, $0xb8;
	[tilespmem:$0x18100] =	vst v63  }
0x3f: {  	v3 =	vld [tilespmem:$0x20];
	_ =	sdelay $0x4  }
0x40: {  	v50 =	vshrl.u32 v3, $0x3  }
0x41: {  	v4 =	vmul.u32 $0x30, v50  }
0x42: {  	v3 =	vand.u32 $0x7, v3  }
0x43: {  	v3 =	vor.u32 v3, v4  }
0x44: {  	v4 =	vperm.xlane v3, v0;
	_ =	sdelay $0x1  }
0x45: {  	v4 =	vadd.s32 v1, v4;
	_ =	sdelay $0x3  }
0x46: {  	v3 =	vperm.xlane v3, v2  }
0x47: {  	[tilespmem:s22], [sflag:$0x1] =	stream.indirect_vreg.gather [hbm4b:s3+s2], $0x80, v4, vm0, $0xb8;
	[tilespmem:$0x18100] =	vst v63  }
0x48: {  	v3 =	vadd.s32 v1, v3  }
0x49: {  	[tilespmem:s23], [sflag:$0x1] =	stream.indirect_vreg.gather [hbm4b:s4+s2], $0x80, v4, vm0, $0xb8;
	[tilespmem:$0x18100] =	vst v63  }
0x4a: {  	_ = 	snop  }
0x4b: {  	[tilespmem:s24], [sflag:$0x1] =	stream.indirect_vreg.gather [hbm4b:s5+s2], $0x80, v4, vm0, $0xb8;
	[tilespmem:$0x18100] =	vst v63  }
0x4c: {  	_ = 	snop  }
0x4d: {  	[tilespmem:s25], [sflag:$0x1] =	stream.indirect_vreg.gather [hbm4b:s3+s2], $0x80, v3, vm0, $0xb8;
	[tilespmem:$0x18100] =	vst v63  }
0x4e: {  	_ = 	snop  }
0x4f: {  	[tilespmem:s26], [sflag:$0x1] =	stream.indirect_vreg.gather [hbm4b:s4+s2], $0x80, v3, vm0, $0xb8;
	[tilespmem:$0x18100] =	vst v63  }
0x50: {  	_ = 	snop  }
0x51: {  	[tilespmem:s28], [sflag:$0x1] =	stream.indirect_vreg.gather [hbm4b:s5+s2], $0x80, v3, vm0, $0xb8;
	[tilespmem:$0x18100] =	vst v63  }
0x52: {  	v3 =	vld [tilespmem:$0x30];
	_ =	sdelay $0x4  }
0x53: {  	v51 =	vshrl.u32 v3, $0x3  }
0x54: {  	v4 =	vmul.u32 $0x30, v51  }
0x55: {  	v3 =	vand.u32 $0x7, v3  }
0x56: {  	v3 =	vor.u32 v3, v4  }
0x57: {  	v4 =	vperm.xlane v3, v0;
	_ =	sdelay $0x1  }
0x58: {  	v4 =	vadd.s32 v1, v4;
	_ =	sdelay $0x3  }
0x59: {  	v3 =	vperm.xlane v3, v2  }
0x5a: {  	[tilespmem:s29], [sflag:$0x1] =	stream.indirect_vreg.gather [hbm4b:s3+s2], $0x80, v4, vm0, $0xb8;
	[tilespmem:$0x18100] =	vst v63  }
0x5b: {  	v3 =	vadd.s32 v1, v3  }
0x5c: {  	[tilespmem:s30], [sflag:$0x1] =	stream.indirect_vreg.gather [hbm4b:s4+s2], $0x80, v4, vm0, $0xb8;
	[tilespmem:$0x18100] =	vst v63  }
0x5d: {  	_ = 	snop  }
0x5e: {  	[tilespmem:s31], [sflag:$0x1] =	stream.indirect_vreg.gather [hbm4b:s5+s2], $0x80, v4, vm0, $0xb8;
	[tilespmem:$0x18100] =	vst v63  }
0x5f: {  	s0 =	simm.s32 $0xA900  }
0x60: {  	[tilespmem:s0], [sflag:$0x1] =	stream.indirect_vreg.gather [hbm4b:s3+s2], $0x80, v3, vm0, $0xb8;
	[tilespmem:$0x18100] =	vst v63  }
0x61: {  	_ = 	snop  }
0x62: {  	[tilespmem:s8], [sflag:$0x1] =	stream.indirect_vreg.gather [hbm4b:s4+s2], $0x80, v3, vm0, $0xb8;
	[tilespmem:$0x18100] =	vst v63  }
0x63: {  	s9 =	simm.s32 $0xB900  }
0x64: {  	[tilespmem:s9], [sflag:$0x1] =	stream.indirect_vreg.gather [hbm4b:s5+s2], $0x80, v3, vm0, $0xb8;
	[tilespmem:$0x18100] =	vst v63  }
0x65: {  	v3 =	vld [tilespmem:$0x40];
	_ =	sdelay $0x4  }
0x66: {  	v52 =	vshrl.u32 v3, $0x3  }
0x67: {  	v4 =	vmul.u32 $0x30, v52  }
0x68: {  	v3 =	vand.u32 $0x7, v3  }
0x69: {  	v3 =	vor.u32 v3, v4  }
0x6a: {  	v4 =	vperm.xlane v3, v0;
	_ =	sdelay $0x1  }
0x6b: {  	v4 =	vadd.s32 v1, v4;
	_ =	sdelay $0x3  }
0x6c: {  	s9 =	simm.s32 $0xC100;
	v3 =	vperm.xlane v3, v2  }
0x6d: {  	[tilespmem:s9], [sflag:$0x1] =	stream.indirect_vreg.gather [hbm4b:s3+s2], $0x80, v4, vm0, $0xb8;
	[tilespmem:$0x18100] =	vst v63  }
0x6e: {  	v3 =	vadd.s32 v1, v3;
	s9 =	simm.s32 $0xC900  }
0x6f: {  	[tilespmem:s9], [sflag:$0x1] =	stream.indirect_vreg.gather [hbm4b:s4+s2], $0x80, v4, vm0, $0xb8;
	[tilespmem:$0x18100] =	vst v63  }
0x70: {  	s9 =	simm.s32 $0xD100  }
0x71: {  	[tilespmem:s9], [sflag:$0x1] =	stream.indirect_vreg.gather [hbm4b:s5+s2], $0x80, v4, vm0, $0xb8;
	[tilespmem:$0x18100] =	vst v63  }
0x72: {  	s9 =	simm.s32 $0xD900  }
0x73: {  	[tilespmem:s9], [sflag:$0x1] =	stream.indirect_vreg.gather [hbm4b:s3+s2], $0x80, v3, vm0, $0xb8;
	[tilespmem:$0x18100] =	vst v63  }
0x74: {  	s9 =	simm.s32 $0xE100  }
0x75: {  	[tilespmem:s9], [sflag:$0x1] =	stream.indirect_vreg.gather [hbm4b:s4+s2], $0x80, v3, vm0, $0xb8;
	[tilespmem:$0x18100] =	vst v63  }
0x76: {  	s9 =	simm.s32 $0xE900  }
0x77: {  	[tilespmem:s9], [sflag:$0x1] =	stream.indirect_vreg.gather [hbm4b:s5+s2], $0x80, v3, vm0, $0xb8;
	[tilespmem:$0x18100] =	vst v63  }
0x78: {  	v3 =	vld [tilespmem:$0x50];
	_ =	sdelay $0x4  }
0x79: {  	v53 =	vshrl.u32 v3, $0x3  }
0x7a: {  	v4 =	vmul.u32 $0x30, v53  }
0x7b: {  	v3 =	vand.u32 $0x7, v3  }
0x7c: {  	v3 =	vor.u32 v3, v4  }
0x7d: {  	v4 =	vperm.xlane v3, v0;
	_ =	sdelay $0x1  }
0x7e: {  	v4 =	vadd.s32 v1, v4;
	_ =	sdelay $0x3  }
0x7f: {  	s9 =	simm.s32 $0xF100;
	v3 =	vperm.xlane v3, v2  }
0x80: {  	[tilespmem:s9], [sflag:$0x1] =	stream.indirect_vreg.gather [hbm4b:s3+s2], $0x80, v4, vm0, $0xb8;
	[tilespmem:$0x18100] =	vst v63  }
0x81: {  	v3 =	vadd.s32 v1, v3;
	s9 =	simm.s32 $0xF900  }
0x82: {  	[tilespmem:s9], [sflag:$0x1] =	stream.indirect_vreg.gather [hbm4b:s4+s2], $0x80, v4, vm0, $0xb8;
	[tilespmem:$0x18100] =	vst v63  }
0x83: {  	s9 =	simm.s32 $0x10100  }
0x84: {  	[tilespmem:s9], [sflag:$0x1] =	stream.indirect_vreg.gather [hbm4b:s5+s2], $0x80, v4, vm0, $0xb8;
	[tilespmem:$0x18100] =	vst v63  }
0x85: {  	s9 =	simm.s32 $0x10900  }
0x86: {  	[tilespmem:s9], [sflag:$0x1] =	stream.indirect_vreg.gather [hbm4b:s3+s2], $0x80, v3, vm0, $0xb8;
	[tilespmem:$0x18100] =	vst v63  }
0x87: {  	s9 =	simm.s32 $0x11100  }
0x88: {  	[tilespmem:s9], [sflag:$0x1] =	stream.indirect_vreg.gather [hbm4b:s4+s2], $0x80, v3, vm0, $0xb8;
	[tilespmem:$0x18100] =	vst v63  }
0x89: {  	s9 =	simm.s32 $0x11900  }
0x8a: {  	[tilespmem:s9], [sflag:$0x1] =	stream.indirect_vreg.gather [hbm4b:s5+s2], $0x80, v3, vm0, $0xb8;
	[tilespmem:$0x18100] =	vst v63  }
0x8b: {  	v3 =	vld [tilespmem:$0x60];
	_ =	sdelay $0x4  }
0x8c: {  	v54 =	vshrl.u32 v3, $0x3  }
0x8d: {  	v4 =	vmul.u32 $0x30, v54  }
0x8e: {  	v3 =	vand.u32 $0x7, v3  }
0x8f: {  	v3 =	vor.u32 v3, v4  }
0x90: {  	v4 =	vperm.xlane v3, v0;
	_ =	sdelay $0x1  }
0x91: {  	v4 =	vadd.s32 v1, v4;
	_ =	sdelay $0x3  }
0x92: {  	s9 =	simm.s32 $0x12100;
	v3 =	vperm.xlane v3, v2  }
0x93: {  	[tilespmem:s9], [sflag:$0x1] =	stream.indirect_vreg.gather [hbm4b:s3+s2], $0x80, v4, vm0, $0xb8;
	[tilespmem:$0x18100] =	vst v63  }
0x94: {  	v3 =	vadd.s32 v1, v3;
	s9 =	simm.s32 $0x12900  }
0x95: {  	[tilespmem:s9], [sflag:$0x1] =	stream.indirect_vreg.gather [hbm4b:s4+s2], $0x80, v4, vm0, $0xb8;
	[tilespmem:$0x18100] =	vst v63  }
0x96: {  	s9 =	simm.s32 $0x13100  }
0x97: {  	[tilespmem:s9], [sflag:$0x1] =	stream.indirect_vreg.gather [hbm4b:s5+s2], $0x80, v4, vm0, $0xb8;
	[tilespmem:$0x18100] =	vst v63  }
0x98: {  	s9 =	simm.s32 $0x13900  }
0x99: {  	[tilespmem:s9], [sflag:$0x1] =	stream.indirect_vreg.gather [hbm4b:s3+s2], $0x80, v3, vm0, $0xb8;
	[tilespmem:$0x18100] =	vst v63  }
0x9a: {  	s9 =	simm.s32 $0x14100  }
0x9b: {  	[tilespmem:s9], [sflag:$0x1] =	stream.indirect_vreg.gather [hbm4b:s4+s2], $0x80, v3, vm0, $0xb8;
	[tilespmem:$0x18100] =	vst v63  }
0x9c: {  	s9 =	simm.s32 $0x14900  }
0x9d: {  	[tilespmem:s9], [sflag:$0x1] =	stream.indirect_vreg.gather [hbm4b:s5+s2], $0x80, v3, vm0, $0xb8;
	[tilespmem:$0x18100] =	vst v63  }
0x9e: {  	v3 =	vld [tilespmem:$0x70];
	_ =	sdelay $0x4  }
0x9f: {  	v55 =	vshrl.u32 v3, $0x3  }
0xa0: {  	v4 =	vmul.u32 $0x30, v55  }
0xa1: {  	v3 =	vand.u32 $0x7, v3  }
0xa2: {  	v3 =	vor.u32 v3, v4  }
0xa3: {  	v4 =	vperm.xlane v3, v0;
	_ =	sdelay $0x1  }
0xa4: {  	v4 =	vadd.s32 v1, v4;
	_ =	sdelay $0x3  }
0xa5: {  	s9 =	simm.s32 $0x15100;
	v3 =	vperm.xlane v3, v2  }
0xa6: {  	[tilespmem:s9], [sflag:$0x1] =	stream.indirect_vreg.gather [hbm4b:s3+s2], $0x80, v4, vm0, $0xb8;
	[tilespmem:$0x18100] =	vst v63  }
0xa7: {  	v3 =	vadd.s32 v1, v3;
	s9 =	simm.s32 $0x15900  }
0xa8: {  	[tilespmem:s9], [sflag:$0x1] =	stream.indirect_vreg.gather [hbm4b:s4+s2], $0x80, v4, vm0, $0xb8;
	[tilespmem:$0x18100] =	vst v63  }
0xa9: {  	s9 =	simm.s32 $0x16100  }
0xaa: {  	[tilespmem:s9], [sflag:$0x1] =	stream.indirect_vreg.gather [hbm4b:s5+s2], $0x80, v4, vm0, $0xb8;
	[tilespmem:$0x18100] =	vst v63  }
0xab: {  	s9 =	simm.s32 $0x16900  }
0xac: {  	[tilespmem:s9], [sflag:$0x1] =	stream.indirect_vreg.gather [hbm4b:s3+s2], $0x80, v3, vm0, $0xb8;
	[tilespmem:$0x18100] =	vst v63  }
0xad: {  	s9 =	simm.s32 $0x17100  }
0xae: {  	[tilespmem:s9], [sflag:$0x1] =	stream.indirect_vreg.gather [hbm4b:s4+s2], $0x80, v3, vm0, $0xb8;
	[tilespmem:$0x18100] =	vst v63  }
0xaf: {  	s9 =	simm.s32 $0x17900  }
0xb0: {  	[tilespmem:s9], [sflag:$0x1] =	stream.indirect_vreg.gather [hbm4b:s5+s2], $0x80, v3, vm0, $0xb8;
	[tilespmem:$0x18100] =	vst v63  }
0xb1: {  	_ =	swait.ge [sflag:s1], $0x18000  }
0xb2: {  	[sflag:s1] =	ssyncset.done $0x0  }
0xb3: {  	s10 =	simm.s32 $0x100;
	s9 =	rddreg [dreg:$0x4];
	[sflag:s1] =	ssyncadd.s32 $0xFFFE8000  }
0xb4: {  	[hbm4b:s9+s2] =	stream.linear.scatter [tilespmem:s10], [sflag:$0x2], $0x18000, $0x38;
	[tilespmem:$0x18100] =	vst v63  }
0xb5: {  	_ =	swait.ge [sflag:s7], $0x18000  }
0xb6: {  	s9 =	rddreg [dreg:$0x5];
	[sflag:s7] =	ssyncset.done $0x0  }
0xb7: {  	s10 =	rddreg [dreg:$0x7];
	[sflag:s7] =	ssyncadd.s32 $0xFFFE8000  }
0xb8: {  	[tilespmem:s10], [sflag:$0x2] =	stream.linear.gather [hbm4b:s9+s2], $0x80, $0x38;
	[tilespmem:$0x18100] =	vst v63  }
0xb9: {  	_ =	swait.ge [sflag:s7], $0x80  }
0xba: {  	[sflag:s7] =	ssyncset.done $0x0  }
0xbb: {  	[sflag:s7] =	ssyncadd.s32 $0xFFFFFF80  }
0xbc: {  	v3 =	vld [tilespmem:$0x80];
	_ =	sdelay $0x4  }
0xbd: {  	v56 =	vshrl.u32 v3, $0x3  }
0xbe: {  	v4 =	vmul.u32 $0x30, v56  }
0xbf: {  	v3 =	vand.u32 $0x7, v3  }
0xc0: {  	v3 =	vor.u32 v3, v4  }
0xc1: {  	v4 =	vperm.xlane v3, v0;
	_ =	sdelay $0x1  }
0xc2: {  	v4 =	vadd.s32 v1, v4;
	_ =	sdelay $0x3  }
0xc3: {  	s10 =	simm.s32 $0x100;
	v3 =	vperm.xlane v3, v2  }
0xc4: {  	[tilespmem:s10], [sflag:$0x1] =	stream.indirect_vreg.gather [hbm4b:s3+s2], $0x80, v4, vm0, $0xb8;
	[tilespmem:$0x18100] =	vst v63  }
0xc5: {  	v3 =	vadd.s32 v1, v3  }
0xc6: {  	[tilespmem:s11], [sflag:$0x1] =	stream.indirect_vreg.gather [hbm4b:s4+s2], $0x80, v4, vm0, $0xb8;
	[tilespmem:$0x18100] =	vst v63  }
0xc7: {  	_ = 	snop  }
0xc8: {  	[tilespmem:s12], [sflag:$0x1] =	stream.indirect_vreg.gather [hbm4b:s5+s2], $0x80, v4, vm0, $0xb8;
	[tilespmem:$0x18100] =	vst v63  }
0xc9: {  	_ = 	snop  }
0xca: {  	[tilespmem:s13], [sflag:$0x1] =	stream.indirect_vreg.gather [hbm4b:s3+s2], $0x80, v3, vm0, $0xb8;
	[tilespmem:$0x18100] =	vst v63  }
0xcb: {  	_ = 	snop  }
0xcc: {  	[tilespmem:s14], [sflag:$0x1] =	stream.indirect_vreg.gather [hbm4b:s4+s2], $0x80, v3, vm0, $0xb8;
	[tilespmem:$0x18100] =	vst v63  }
0xcd: {  	_ = 	snop  }
0xce: {  	[tilespmem:s15], [sflag:$0x1] =	stream.indirect_vreg.gather [hbm4b:s5+s2], $0x80, v3, vm0, $0xb8;
	[tilespmem:$0x18100] =	vst v63  }
0xcf: {  	v3 =	vld [tilespmem:$0x90];
	_ =	sdelay $0x4  }
0xd0: {  	v57 =	vshrl.u32 v3, $0x3  }
0xd1: {  	v4 =	vmul.u32 $0x30, v57  }
0xd2: {  	v3 =	vand.u32 $0x7, v3  }
0xd3: {  	v3 =	vor.u32 v3, v4  }
0xd4: {  	v4 =	vperm.xlane v3, v0;
	_ =	sdelay $0x1  }
0xd5: {  	v4 =	vadd.s32 v1, v4;
	_ =	sdelay $0x3  }
0xd6: {  	v3 =	vperm.xlane v3, v2  }
0xd7: {  	[tilespmem:s16], [sflag:$0x1] =	stream.indirect_vreg.gather [hbm4b:s3+s2], $0x80, v4, vm0, $0xb8;
	[tilespmem:$0x18100] =	vst v63  }
0xd8: {  	v3 =	vadd.s32 v1, v3  }
0xd9: {  	[tilespmem:s17], [sflag:$0x1] =	stream.indirect_vreg.gather [hbm4b:s4+s2], $0x80, v4, vm0, $0xb8;
	[tilespmem:$0x18100] =	vst v63  }
0xda: {  	_ = 	snop  }
0xdb: {  	[tilespmem:s18], [sflag:$0x1] =	stream.indirect_vreg.gather [hbm4b:s5+s2], $0x80, v4, vm0, $0xb8;
	[tilespmem:$0x18100] =	vst v63  }
0xdc: {  	_ = 	snop  }
0xdd: {  	[tilespmem:s19], [sflag:$0x1] =	stream.indirect_vreg.gather [hbm4b:s3+s2], $0x80, v3, vm0, $0xb8;
	[tilespmem:$0x18100] =	vst v63  }
0xde: {  	_ = 	snop  }
0xdf: {  	[tilespmem:s20], [sflag:$0x1] =	stream.indirect_vreg.gather [hbm4b:s4+s2], $0x80, v3, vm0, $0xb8;
	[tilespmem:$0x18100] =	vst v63  }
0xe0: {  	_ = 	snop  }
0xe1: {  	[tilespmem:s21], [sflag:$0x1] =	stream.indirect_vreg.gather [hbm4b:s5+s2], $0x80, v3, vm0, $0xb8;
	[tilespmem:$0x18100] =	vst v63  }
0xe2: {  	v3 =	vld [tilespmem:$0xA0];
	_ =	sdelay $0x4  }
0xe3: {  	v58 =	vshrl.u32 v3, $0x3  }
0xe4: {  	v4 =	vmul.u32 $0x30, v58  }
0xe5: {  	v3 =	vand.u32 $0x7, v3  }
0xe6: {  	v3 =	vor.u32 v3, v4  }
0xe7: {  	v4 =	vperm.xlane v3, v0;
	_ =	sdelay $0x1  }
0xe8: {  	v4 =	vadd.s32 v1, v4;
	_ =	sdelay $0x3  }
0xe9: {  	v3 =	vperm.xlane v3, v2  }
0xea: {  	[tilespmem:s22], [sflag:$0x1] =	stream.indirect_vreg.gather [hbm4b:s3+s2], $0x80, v4, vm0, $0xb8;
	[tilespmem:$0x18100] =	vst v63  }
0xeb: {  	v3 =	vadd.s32 v1, v3  }
0xec: {  	[tilespmem:s23], [sflag:$0x1] =	stream.indirect_vreg.gather [hbm4b:s4+s2], $0x80, v4, vm0, $0xb8;
	[tilespmem:$0x18100] =	vst v63  }
0xed: {  	_ = 	snop  }
0xee: {  	[tilespmem:s24], [sflag:$0x1] =	stream.indirect_vreg.gather [hbm4b:s5+s2], $0x80, v4, vm0, $0xb8;
	[tilespmem:$0x18100] =	vst v63  }
0xef: {  	_ = 	snop  }
0xf0: {  	[tilespmem:s25], [sflag:$0x1] =	stream.indirect_vreg.gather [hbm4b:s3+s2], $0x80, v3, vm0, $0xb8;
	[tilespmem:$0x18100] =	vst v63  }
0xf1: {  	_ = 	snop  }
0xf2: {  	[tilespmem:s26], [sflag:$0x1] =	stream.indirect_vreg.gather [hbm4b:s4+s2], $0x80, v3, vm0, $0xb8;
	[tilespmem:$0x18100] =	vst v63  }
0xf3: {  	_ = 	snop  }
0xf4: {  	[tilespmem:s28], [sflag:$0x1] =	stream.indirect_vreg.gather [hbm4b:s5+s2], $0x80, v3, vm0, $0xb8;
	[tilespmem:$0x18100] =	vst v63  }
0xf5: {  	v3 =	vld [tilespmem:$0xB0];
	_ =	sdelay $0x4  }
0xf6: {  	v59 =	vshrl.u32 v3, $0x3  }
0xf7: {  	v4 =	vmul.u32 $0x30, v59  }
0xf8: {  	v3 =	vand.u32 $0x7, v3  }
0xf9: {  	v3 =	vor.u32 v3, v4  }
0xfa: {  	v4 =	vperm.xlane v3, v0;
	_ =	sdelay $0x1  }
0xfb: {  	v4 =	vadd.s32 v1, v4;
	_ =	sdelay $0x3  }
0xfc: {  	v3 =	vperm.xlane v3, v2  }
0xfd: {  	[tilespmem:s29], [sflag:$0x1] =	stream.indirect_vreg.gather [hbm4b:s3+s2], $0x80, v4, vm0, $0xb8;
	[tilespmem:$0x18100] =	vst v63  }
0xfe: {  	v3 =	vadd.s32 v1, v3  }
0xff: {  	[tilespmem:s30], [sflag:$0x1] =	stream.indirect_vreg.gather [hbm4b:s4+s2], $0x80, v4, vm0, $0xb8;
	[tilespmem:$0x18100] =	vst v63  }
0x100: {  	_ = 	snop  }
0x101: {  	[tilespmem:s31], [sflag:$0x1] =	stream.indirect_vreg.gather [hbm4b:s5+s2], $0x80, v4, vm0, $0xb8;
	[tilespmem:$0x18100] =	vst v63  }
0x102: {  	_ = 	snop  }
0x103: {  	[tilespmem:s0], [sflag:$0x1] =	stream.indirect_vreg.gather [hbm4b:s3+s2], $0x80, v3, vm0, $0xb8;
	[tilespmem:$0x18100] =	vst v63  }
0x104: {  	_ = 	snop  }
0x105: {  	[tilespmem:s8], [sflag:$0x1] =	stream.indirect_vreg.gather [hbm4b:s4+s2], $0x80, v3, vm0, $0xb8;
	[tilespmem:$0x18100] =	vst v63  }
0x106: {  	s9 =	simm.s32 $0xB900  }
0x107: {  	[tilespmem:s9], [sflag:$0x1] =	stream.indirect_vreg.gather [hbm4b:s5+s2], $0x80, v3, vm0, $0xb8;
	[tilespmem:$0x18100] =	vst v63  }
0x108: {  	v3 =	vld [tilespmem:$0xC0];
	_ =	sdelay $0x4  }
0x109: {  	v60 =	vshrl.u32 v3, $0x3  }
0x10a: {  	v4 =	vmul.u32 $0x30, v60  }
0x10b: {  	v3 =	vand.u32 $0x7, v3  }
0x10c: {  	v3 =	vor.u32 v3, v4  }
0x10d: {  	v4 =	vperm.xlane v3, v0;
	_ =	sdelay $0x1  }
0x10e: {  	v4 =	vadd.s32 v1, v4;
	_ =	sdelay $0x3  }
0x10f: {  	s9 =	simm.s32 $0xC100;
	v3 =	vperm.xlane v3, v2  }
0x110: {  	[tilespmem:s9], [sflag:$0x1] =	stream.indirect_vreg.gather [hbm4b:s3+s2], $0x80, v4, vm0, $0xb8;
	[tilespmem:$0x18100] =	vst v63  }
0x111: {  	v3 =	vadd.s32 v1, v3;
	s9 =	simm.s32 $0xC900  }
0x112: {  	[tilespmem:s9], [sflag:$0x1] =	stream.indirect_vreg.gather [hbm4b:s4+s2], $0x80, v4, vm0, $0xb8;
	[tilespmem:$0x18100] =	vst v63  }
0x113: {  	s9 =	simm.s32 $0xD100  }
0x114: {  	[tilespmem:s9], [sflag:$0x1] =	stream.indirect_vreg.gather [hbm4b:s5+s2], $0x80, v4, vm0, $0xb8;
	[tilespmem:$0x18100] =	vst v63  }
0x115: {  	s9 =	simm.s32 $0xD900  }
0x116: {  	[tilespmem:s9], [sflag:$0x1] =	stream.indirect_vreg.gather [hbm4b:s3+s2], $0x80, v3, vm0, $0xb8;
	[tilespmem:$0x18100] =	vst v63  }
0x117: {  	s9 =	simm.s32 $0xE100  }
0x118: {  	[tilespmem:s9], [sflag:$0x1] =	stream.indirect_vreg.gather [hbm4b:s4+s2], $0x80, v3, vm0, $0xb8;
	[tilespmem:$0x18100] =	vst v63  }
0x119: {  	s9 =	simm.s32 $0xE900  }
0x11a: {  	[tilespmem:s9], [sflag:$0x1] =	stream.indirect_vreg.gather [hbm4b:s5+s2], $0x80, v3, vm0, $0xb8;
	[tilespmem:$0x18100] =	vst v63  }
0x11b: {  	v3 =	vld [tilespmem:$0xD0];
	_ =	sdelay $0x4  }
0x11c: {  	v61 =	vshrl.u32 v3, $0x3  }
0x11d: {  	v4 =	vmul.u32 $0x30, v61  }
0x11e: {  	v3 =	vand.u32 $0x7, v3  }
0x11f: {  	v3 =	vor.u32 v3, v4  }
0x120: {  	v4 =	vperm.xlane v3, v0;
	_ =	sdelay $0x1  }
0x121: {  	v4 =	vadd.s32 v1, v4;
	_ =	sdelay $0x3  }
0x122: {  	s9 =	simm.s32 $0xF100;
	v3 =	vperm.xlane v3, v2  }
0x123: {  	[tilespmem:s9], [sflag:$0x1] =	stream.indirect_vreg.gather [hbm4b:s3+s2], $0x80, v4, vm0, $0xb8;
	[tilespmem:$0x18100] =	vst v63  }
0x124: {  	v3 =	vadd.s32 v1, v3;
	s9 =	simm.s32 $0xF900  }
0x125: {  	[tilespmem:s9], [sflag:$0x1] =	stream.indirect_vreg.gather [hbm4b:s4+s2], $0x80, v4, vm0, $0xb8;
	[tilespmem:$0x18100] =	vst v63  }
0x126: {  	s9 =	simm.s32 $0x10100  }
0x127: {  	[tilespmem:s9], [sflag:$0x1] =	stream.indirect_vreg.gather [hbm4b:s5+s2], $0x80, v4, vm0, $0xb8;
	[tilespmem:$0x18100] =	vst v63  }
0x128: {  	s9 =	simm.s32 $0x10900  }
0x129: {  	[tilespmem:s9], [sflag:$0x1] =	stream.indirect_vreg.gather [hbm4b:s3+s2], $0x80, v3, vm0, $0xb8;
	[tilespmem:$0x18100] =	vst v63  }
0x12a: {  	s9 =	simm.s32 $0x11100  }
0x12b: {  	[tilespmem:s9], [sflag:$0x1] =	stream.indirect_vreg.gather [hbm4b:s4+s2], $0x80, v3, vm0, $0xb8;
	[tilespmem:$0x18100] =	vst v63  }
0x12c: {  	s9 =	simm.s32 $0x11900  }
0x12d: {  	[tilespmem:s9], [sflag:$0x1] =	stream.indirect_vreg.gather [hbm4b:s5+s2], $0x80, v3, vm0, $0xb8;
	[tilespmem:$0x18100] =	vst v63  }
0x12e: {  	v3 =	vld [tilespmem:$0xE0];
	_ =	sdelay $0x4  }
0x12f: {  	v62 =	vshrl.u32 v3, $0x3  }
0x130: {  	v4 =	vmul.u32 $0x30, v62  }
0x131: {  	v3 =	vand.u32 $0x7, v3  }
0x132: {  	v3 =	vor.u32 v3, v4  }
0x133: {  	v4 =	vperm.xlane v3, v0;
	_ =	sdelay $0x1  }
0x134: {  	v4 =	vadd.s32 v1, v4;
	_ =	sdelay $0x3  }
0x135: {  	s9 =	simm.s32 $0x12100;
	v3 =	vperm.xlane v3, v2  }
0x136: {  	[tilespmem:s9], [sflag:$0x1] =	stream.indirect_vreg.gather [hbm4b:s3+s2], $0x80, v4, vm0, $0xb8;
	[tilespmem:$0x18100] =	vst v63  }
0x137: {  	v3 =	vadd.s32 v1, v3;
	s9 =	simm.s32 $0x12900  }
0x138: {  	[tilespmem:s9], [sflag:$0x1] =	stream.indirect_vreg.gather [hbm4b:s4+s2], $0x80, v4, vm0, $0xb8;
	[tilespmem:$0x18100] =	vst v63  }
0x139: {  	s9 =	simm.s32 $0x13100  }
0x13a: {  	[tilespmem:s9], [sflag:$0x1] =	stream.indirect_vreg.gather [hbm4b:s5+s2], $0x80, v4, vm0, $0xb8;
	[tilespmem:$0x18100] =	vst v63  }
0x13b: {  	s9 =	simm.s32 $0x13900  }
0x13c: {  	[tilespmem:s9], [sflag:$0x1] =	stream.indirect_vreg.gather [hbm4b:s3+s2], $0x80, v3, vm0, $0xb8;
	[tilespmem:$0x18100] =	vst v63  }
0x13d: {  	s9 =	simm.s32 $0x14100  }
0x13e: {  	[tilespmem:s9], [sflag:$0x1] =	stream.indirect_vreg.gather [hbm4b:s4+s2], $0x80, v3, vm0, $0xb8;
	[tilespmem:$0x18100] =	vst v63  }
0x13f: {  	s9 =	simm.s32 $0x14900  }
0x140: {  	[tilespmem:s9], [sflag:$0x1] =	stream.indirect_vreg.gather [hbm4b:s5+s2], $0x80, v3, vm0, $0xb8;
	[tilespmem:$0x18100] =	vst v63  }
0x141: {  	v3 =	vld [tilespmem:$0xF0];
	_ =	sdelay $0x4  }
0x142: {  	v63 =	vshrl.u32 v3, $0x3  }
0x143: {  	v4 =	vmul.u32 $0x30, v63  }
0x144: {  	v3 =	vand.u32 $0x7, v3  }
0x145: {  	v3 =	vor.u32 v3, v4  }
0x146: {  	v4 =	vperm.xlane v3, v0;
	_ =	sdelay $0x1  }
0x147: {  	v4 =	vadd.s32 v1, v4;
	_ =	sdelay $0x3  }
0x148: {  	s9 =	simm.s32 $0x15100;
	v3 =	vperm.xlane v3, v2  }
0x149: {  	[tilespmem:s9], [sflag:$0x1] =	stream.indirect_vreg.gather [hbm4b:s3+s2], $0x80, v4, vm0, $0xb8;
	[tilespmem:$0x18100] =	vst v63  }
0x14a: {  	v3 =	vadd.s32 v1, v3;
	s9 =	simm.s32 $0x15900  }
0x14b: {  	[tilespmem:s9], [sflag:$0x1] =	stream.indirect_vreg.gather [hbm4b:s4+s2], $0x80, v4, vm0, $0xb8;
	[tilespmem:$0x18100] =	vst v63  }
0x14c: {  	s9 =	simm.s32 $0x16100  }
0x14d: {  	[tilespmem:s9], [sflag:$0x1] =	stream.indirect_vreg.gather [hbm4b:s5+s2], $0x80, v4, vm0, $0xb8;
	[tilespmem:$0x18100] =	vst v63  }
0x14e: {  	s9 =	simm.s32 $0x16900  }
0x14f: {  	[tilespmem:s9], [sflag:$0x1] =	stream.indirect_vreg.gather [hbm4b:s3+s2], $0x80, v3, vm0, $0xb8;
	[tilespmem:$0x18100] =	vst v63  }
0x150: {  	s9 =	simm.s32 $0x17100  }
0x151: {  	[tilespmem:s9], [sflag:$0x1] =	stream.indirect_vreg.gather [hbm4b:s4+s2], $0x80, v3, vm0, $0xb8;
	[tilespmem:$0x18100] =	vst v63  }
0x152: {  	s9 =	simm.s32 $0x17900  }
0x153: {  	[tilespmem:s9], [sflag:$0x1] =	stream.indirect_vreg.gather [hbm4b:s5+s2], $0x80, v3, vm0, $0xb8;
	[tilespmem:$0x18100] =	vst v63  }
0x154: {  	_ =	swait.ge [sflag:s1], $0x18000  }
0x155: {  	p0 =	sne.s32 s6, $0x1;
	[sflag:s1] =	ssyncset.done $0x0  }
.Ltmp0:
0x156: {  	s0 =	rddreg [dreg:$0x6];
	[sflag:s1] =	ssyncadd.s32 $0xFFFE8000;
	(pc) =	sbr.rel @p0 .LBB2_1-.Ltmp0, $4  }
0x157: {  	[hbm4b:s0+s2] =	stream.linear.scatter [tilespmem:s10], [sflag:$0x2], $0x18000, $0x38;
	[tilespmem:$0x18100] =	vst v63  }
0x158: {  	_ =	swait.ge [sflag:s7], $0x18000  }
0x159: {  	[sflag:s7] =	ssyncset.done $0x0  }
0x15a: {  	s6 =	sadd.s32 $0xFFFFFFFF, s6;
	[sflag:s7] =	ssyncadd.s32 $0xFFFE8000  }
0x15b: {  	_ =	sfence.sel $0x180000  }
0x15c: {  	[bflag:$0x0] =	sbarrier.arrive $0xFFFF  }
0x15d: {  	_ =	strace $0x9000004A  }
0x15e: {  	s0 =	stileid.u32;
	[bflag:$0x2] =	sbarrier.arrive $0xFFFF  }
0x15f: {  	p0 =	sne.s32 s0, $0x0;
	s0 =	rddreg [dreg:$0x2]  }
0x160: {  	s0 =	sadd.s32 @!p0 $0x100000, s0  }
0x161: {  	[sflag:s0] =	ssyncadd.tile.s32 @!p0 $0x1;
	_ =	shalt  }
.Lfunc_end2:
_tile_overlayer_lowered:
.L_overlay_start_2:
0x162: {  	(tag) =	ssettag $0x2  }
0x163: {  	s0 =	rddreg [dreg:$0x0];
	s2 =	stileid.u32  }
0x164: {  	s1 =	rddreg [dreg:$0x1];
	p0 =	sne.s32 s2, $0x0  }
0x165: {  	s3 =	rddreg [dreg:$0x2];
	[bflag:$0x3] =	sbarrier.arrive $0xFFFF;
	s2 =	simm.s32 @!p0 $0x1C02  }
0x166: {  	[timem:s3], [sflag:s2] =	dma.local @!p0 [hbm:s0], s1  }
0x167: {  	s0 =	simm.s32 @!p0 $0x2  }
0x168: {  	_ =	swait.ge @!p0 [sflag:s0], s1  }
0x169: {  	s1 =	ssub.s32 @!p0 $0x0, s1;
	[sflag:s0] =	ssyncset.done @!p0 $0x0  }
0x16a: {  	[sflag:s0] =	ssyncadd.s32 @!p0 s1  }
0x16b: {  	[bflag:$0x3] =	sbarrier.arrive $0xFFFF  }
0x16c: {  	_ =	shalt  }

// kernel: kernel.7.cloned.1.call-start
scs
__scs_entry_jumppad:
0x0: {  	(pc) =	sbr.rel $0x88, $3  }
0x1: {  	(tag) =	ssettag $0x0;
	lr =	simm.s32 $0x1  }
0x2: {  	[smem:$0x3F9A] =	sst lr;
	_ =	strace $0xD0000000  }
0x3: {  	_ = 	snop  }
0x4: {  	_ = 	snop  }
0x5: {  	_ = 	snop  }
0x6: {  	_ = 	snop  }
0x7: {  	_ = 	snop  }
__scs_overlays_trampoline_lowered:
0x8: {  	[smem:$0x3FA9] =	sst s0  }
0x9: {  	[smem:$0x3FAA] =	sst s1  }
0xa: {  	[smem:$0x3FAB] =	sst s2  }
0xb: {  	[smem:$0x3FAC] =	sst s3  }
0xc: {  	[smem:$0x3FAD] =	sst s4  }
0xd: {  	[smem:$0x3FAE] =	sst s5  }
0xe: {  	[smem:$0x3FAF] =	sst s6  }
0xf: {  	[smem:$0x3FB0] =	sst s7  }
0x10: {  	[smem:$0x3FB1] =	sst s8  }
0x11: {  	[smem:$0x3FB2] =	sst s9;
	s0 =	simm.s32 @!p0 $0x0  }
0x12: {  	s1 =	sld [smem:$0x3F98];
	s0 =	simm.s32 @p0 $0x1  }
0x13: {  	[smem:$0x3FB3] =	sst s0;
	s0 =	simm.s32 @!p1 $0x0  }
0x14: {  	s2 =	sld [smem:$0x3F97];
	s0 =	simm.s32 @p1 $0x1  }
0x15: {  	[smem:$0x3FB4] =	sst s0;
	s0 =	simm.s32 @!p2 $0x0  }
0x16: {  	s3 =	sld [smem:$0x3FDB];
	s0 =	simm.s32 @p2 $0x1  }
0x17: {  	s4 =	simm.s32 $0x1BF5;
	[smem:$0x3FB6] =	sst s0  }
0x18: {  	s0 =	sld [smem:$0x3F99];
	_ =	swait.ge [sflag:s4], $0x0  }
0x19: {  	s7 =	sld [smem:$0x3F9A]  }
0x1a: {  	s8 =	sadd.s32 $0xFFFFE003, lr  }
0x1b: {  	s9 =	sadd.s32 $0xFFFFFEF7, lr;
	s5 =	simm.s32 $0xFFFFFFFF;
	p2 =	slt.u32 s8, $0xFFFFF086  }
0x1c: {  	p1 =	slt.u32 s9, $0xF7A;
	s5 =	simm.s32 @!p2 $0x0  }
0x1d: {  	s5 =	simm.s32 @p1 $0x1;
	p0 =	seq.s32 s7, s2  }
0x1e: {  	s7 =	smul.u32 @!p0 $0xF7A, s2;
	p2 =	seq.s32 @!p0 s5, $0x0  }
0x1f: {  	s9 =	smul.u32 $0xF7A, s1;
	s8 =	simm.s32 @!p0 $0x1BF5;
	p2 =	por !p2, p0  }
0x20: {  	[sflag:s8] =	ssyncset.s32 @!p0 $0xFFFFF086;
	s6 =	sadd.s32 @!p0 s3, s7;
	s7 =	simm.s32 @!p0 $0x108  }
0x21: {  	s3 =	sadd.s32 s3, s9;
	s6 =	sadd.s32 @!p0 $0x88, s6;
	s7 =	simm.s32 @p2 $0x1082  }
0x22: {  	[simem:s7], [sflag:s8] =	dma.local @!p0 [hbm:s6], $0xF7A  }
0x23: {  	s9 =	sor.u32 $0xD0000000, s2;
	s6 =	simm.s32 $0x108;
	_ =	swait.ge @!p0 [sflag:s8], $0x0  }
0x24: {  	s3 =	sadd.s32 $0x88, s3;
	s6 =	simm.s32 @!p1 $0x1082;
	[sflag:s4] =	ssyncset.s32 $0xFFFFF086  }
0x25: {  	[simem:s6], [sflag:s4] =	dma.local [hbm:s3], $0xF7A  }
0x26: {  	[smem:$0x3F9A] =	sst s1;
	(tag) =	ssettag s2;
	_ =	strace s9  }
0x27: {  	s1 =	sld [smem:$0x3FAA]  }
0x28: {  	s2 =	sld [smem:$0x3FAB]  }
0x29: {  	s4 =	sld [smem:$0x3FAD]  }
0x2a: {  	p0 =	seq.s32 s5, $0x0;
	s5 =	sld [smem:$0x3FAE]  }
0x2b: {  	s6 =	sld [smem:$0x3FAF]  }
0x2c: {  	s7 =	sld [smem:$0x3FB0]  }
0x2d: {  	s3 =	simm.s32 $0x108;
	s8 =	sld [smem:$0x3FB1]  }
0x2e: {  	s3 =	simm.s32 @!p0 $0x1082;
	s9 =	sld [smem:$0x3FB2]  }
0x2f: {  	lr =	sadd.s32 s0, s3;
	s0 =	sld [smem:$0x3FA9]  }
0x30: {  	s3 =	sld [smem:$0x3FAC]  }
0x31: {  	[smem:$0x3FB5] =	sst s10  }
0x32: {  	s10 =	sld [smem:$0x3FB3];
	_ =	sdelay $0x3  }
0x33: {  	p0 =	seq.s32 s10, $0x1;
	s10 =	sld [smem:$0x3FB5];
	_ =	sdelay $0x3  }
0x34: {  	[smem:$0x3FB5] =	sst s10  }
0x35: {  	s10 =	sld [smem:$0x3FB4];
	_ =	sdelay $0x3  }
0x36: {  	p1 =	seq.s32 s10, $0x1;
	s10 =	sld [smem:$0x3FB5];
	_ =	sdelay $0x3  }
0x37: {  	[smem:$0x3FB5] =	sst s10  }
0x38: {  	s10 =	sld [smem:$0x3FB6]  }
0x39: {  	_ = 	snop;
	(pc) =	sbr.ind lr, $3  }
0x3a: {  	_ = 	snop  }
0x3b: {  	_ = 	snop  }
0x3c: {  	p2 =	seq.s32 s10, $0x1;
	s10 =	sld [smem:$0x3FB5]  }
0x3d: {  	_ =	shalt  }
0x3e: {  	_ =	shalt  }
0x3f: {  	_ =	shalt  }
0x40: {  	_ =	shalt  }
0x41: {  	_ =	shalt  }
0x42: {  	_ =	shalt  }
0x43: {  	_ =	shalt  }
0x44: {  	_ =	shalt  }
0x45: {  	_ =	shalt  }
0x46: {  	_ =	shalt  }
0x47: {  	_ =	shalt  }
0x48: {  	_ =	shalt  }
0x49: {  	_ =	shalt  }
0x4a: {  	_ =	shalt  }
0x4b: {  	_ =	shalt  }
0x4c: {  	_ =	shalt  }
0x4d: {  	_ =	shalt  }
0x4e: {  	_ =	shalt  }
0x4f: {  	_ =	shalt  }
0x50: {  	_ =	shalt  }
0x51: {  	_ =	shalt  }
0x52: {  	_ =	shalt  }
0x53: {  	_ =	shalt  }
0x54: {  	_ =	shalt  }
0x55: {  	_ =	shalt  }
0x56: {  	_ =	shalt  }
0x57: {  	_ =	shalt  }
0x58: {  	_ =	shalt  }
0x59: {  	_ =	shalt  }
0x5a: {  	_ =	shalt  }
0x5b: {  	_ =	shalt  }
0x5c: {  	_ =	shalt  }
0x5d: {  	_ =	shalt  }
0x5e: {  	_ =	shalt  }
0x5f: {  	_ =	shalt  }
0x60: {  	_ =	shalt  }
0x61: {  	_ =	shalt  }
0x62: {  	_ =	shalt  }
0x63: {  	_ =	shalt  }
0x64: {  	_ =	shalt  }
0x65: {  	_ =	shalt  }
0x66: {  	_ =	shalt  }
0x67: {  	_ =	shalt  }
0x68: {  	_ =	shalt  }
0x69: {  	_ =	shalt  }
0x6a: {  	_ =	shalt  }
0x6b: {  	_ =	shalt  }
0x6c: {  	_ =	shalt  }
0x6d: {  	_ =	shalt  }
0x6e: {  	_ =	shalt  }
0x6f: {  	_ =	shalt  }
0x70: {  	_ =	shalt  }
0x71: {  	_ =	shalt  }
0x72: {  	_ =	shalt  }
0x73: {  	_ =	shalt  }
0x74: {  	_ =	shalt  }
0x75: {  	_ =	shalt  }
0x76: {  	_ =	shalt  }
0x77: {  	_ =	shalt  }
0x78: {  	_ =	shalt  }
0x79: {  	_ =	shalt  }
0x7a: {  	_ =	shalt  }
0x7b: {  	_ =	shalt  }
0x7c: {  	_ =	shalt  }
0x7d: {  	_ =	shalt  }
0x7e: {  	_ =	shalt  }
0x7f: {  	_ =	shalt  }
0x80: {  	_ =	shalt  }
0x81: {  	_ =	shalt  }
0x82: {  	_ =	shalt  }
0x83: {  	_ =	shalt  }
0x84: {  	_ =	shalt  }
0x85: {  	_ =	shalt  }
0x86: {  	_ =	shalt  }
0x87: {  	_ =	shalt  }
.Lfunc_end0:
.L_simem_size_0:
called_computation_lowered:
.L_overlay_start_0:
0x88: {  	s2 =	sld [smem:$0x3FD9]  }
0x89: {  	s3 =	sld [smem:$0x3FFE];
	_ =	sdelay $0x1  }
0x8a: {  	s1 =	srdreg.scid  }
0x8b: {  	s0 =	sand.u32 $0x1, s1  }
0x8c: {  	s17 =	sshll.u32 s0, $0xA;
	s2 =	sadd.s32 s3, s2  }
0x8d: {  	s2 =	sadd.s32 s2, s17  }
0x8e: {  	[smem:$0x3FC1] =	sst s2  }
0x8f: {  	_ = 	snop  }
0x90: {  	s2 =	sld [smem:$0x3FC9];
	(tm) =	ssettm $0x1  }
0x91: {  	s18 =	sld [smem:$0x3FFB];
	_ =	sdelay $0x3  }
0x92: {  	_ =	strace s18  }
0x93: {  	s3 =	sld [smem:$0x3FFC];
	_ =	sdelay $0x3  }
0x94: {  	_ =	strace s3  }
0x95: {  	s3 =	sld [smem:$0x3FFD];
	_ =	sdelay $0x3  }
0x96: {  	_ =	strace s3  }
0x97: {  	_ =	strace $0x8FFFFFFF  }
0x98: {  	s19 =	sld [smem:$0x3FDB];
	_ =	sdelay $0x1  }
0x99: {  	s4 =	simm.s32 $_scs_section_size  }
0x9a: {  	s5 =	simm.s32 $_size__tile_overlayer_lowered;
	s6 =	simm.s32 $_tile_overlayer_lowered  }
0x9b: {  	s22 =	simm.s32 $0x1BFF;
	s21 =	sshll.u32 s6, $0x1;
	s3 =	sadd.s32 s4, s19  }
0x9c: {  	s7 =	simm.s32 $0x0;
	s20 =	sshll.u32 s5, $0x1;
	s5 =	sadd.s32 s21, s3  }
0x9d: {  	[timem:s7], [sflag:s22] =	dma.local [hbm:s5], s20  }
0x9e: {  	_ =	swait.ge [sflag:s22], s20  }
0x9f: {  	s4 =	ssub.s32 $0x0, s20;
	[sflag:s22] =	ssyncset.done $0x0  }
0xa0: {  	[sflag:s22] =	ssyncadd.s32 s4;
	_ =	sdelay $0x1  }
0xa1: {  	s23 =	simm.s32 $0x1B8B  }
0xa2: {  	_ =	swait.ge [sflag:s23], $0x1  }
0xa3: {  	[sflag:s23] =	ssyncset.done $0x0  }
0xa4: {  	s25 =	simm.s32 $0x1B8E;
	s24 =	sld [smem:$0x3FFE];
	[sflag:s23] =	ssyncadd.s32 $0xFFFFFFFF  }
0xa5: {  	s26 =	simm.s32 $execute0_lowered;
	[smem:$0x3FD2] =	sst s25  }
0xa6: {  	s5 =	sshll.u32 s26, $0x1;
	_ =	strace $0x80000046;
	[dreg:$0x1] =	wrdreg $0xFFFFFFFF  }
0xa7: {  	s28 =	simm.s32 $_size_execute0_lowered;
	s3 =	sadd.s32 s3, s5;
	[dreg:$0x0] =	wrdreg $0x0  }
0xa8: {  	s5 =	sshll.u32 s28, $0x1;
	[dreg:$0x2] =	wrdreg s3  }
0xa9: {  	[dreg:$0x3] =	wrdreg s5  }
0xaa: {  	[dreg:$0x4] =	wrdreg $0xC0  }
0xab: {  	_ =	task [dreg:s7], $0x5FFFF  }
0xac: {  	[dreg:$0x1] =	wrdreg $0xFFFFFFFF  }
0xad: {  	[dreg:$0x0] =	wrdreg $0x60  }
0xae: {  	[dreg:$0x2] =	wrdreg s24  }
0xaf: {  	[dreg:$0x3] =	wrdreg s2  }
0xb0: {  	[dreg:$0x4] =	wrdreg $0x9  }
0xb1: {  	_ =	task.clear_ibuf [dreg:s7], $0x5FFFF;
	_ =	strace $0x90000046  }
0xb2: {  	s29 =	simm.s32 $0x9;
	_ =	strace $0x80000048  }
0xb3: {  	_ =	swait.ge [sflag:s29], $0x1  }
0xb4: {  	[sflag:s29] =	ssyncadd.s32 $0xFFFFFFFF  }
0xb5: {  	_ =	strace $0x90000048  }
0xb6: {  	_ =	sfence  }
0xb7: {  	s30 =	sld [smem:$0x0];
	_ =	sdelay $0x2  }
0xb8: {  	s31 =	sshll.u32 s1, $0xD;
	s1 =	sshrl.u32 s1, $0x2  }
0xb9: {  	s3 =	sand.u32 $0x4000, s31;
	s1 =	sadd.s32 s1, s30  }
0xba: {  	s0 =	sor.u32 s3, s0;
	s1 =	sshll.u32 s1, $0x11  }
0xbb: {  	s0 =	sor.u32 s1, s0  }
0xbc: {  	s0 =	sadd.s32 $0x8F2B, s0  }
0xbd: {  	[sflag:s0] =	ssyncadd.remote.s32 $0x1  }
0xbe: {  	_ =	sfence.sel $0xFFFF  }
0xbf: {  	[dreg:$0x0] =	wrdreg $0xFFFFFFFF;
	(pc) =	sbr.abs _section_cstart, $3  }
0xc0: {  	[dreg:$0x1] =	wrdreg $0xFFFFFFFF  }
0xc1: {  	_ =	task.clear_ibuf [dreg:s7], $0x2FFFF;
	_ =	strace $0x9FFFFFFF  }
0xc2: {  	(tm) =	ssettm $0x7FFFFFFF  }
0xc3: {  	_ =	shalt  }
tec
execute0_lowered:
.L_overlay_start_1:
0x0: {  	(tag) =	ssettag $0x1  }
0x1: {  	s0 =	rddreg [dreg:$0x0]  }
0x2: {  	s1 =	rddreg [dreg:$0x1];
	s2 =	simm.s32 $0x0  }
0x3: {  	s3 =	srdreg.scid;
	s4 =	stileid.u32;
	s26 =	simm.s32 $0x80  }
0x4: {  	s11 =	simm.s32 $0x900;
	s12 =	simm.s32 $0x1100;
	s13 =	simm.s32 $0x1900  }
0x5: {  	s14 =	simm.s32 $0x2100;
	s15 =	simm.s32 $0x2900;
	s16 =	simm.s32 $0x3100  }
0x6: {  	s17 =	simm.s32 $0x3900;
	s18 =	simm.s32 $0x4100;
	s19 =	simm.s32 $0x4900  }
0x7: {  	s20 =	simm.s32 $0x5100;
	s28 =	simm.s32 $0x8900;
	s29 =	simm.s32 $0x9100  }
0x8: {  	s30 =	simm.s32 $0x9900;
	s31 =	simm.s32 $0xA100;
	[smem:$0x7FF] =	sst s2  }
0x9: {  	s3 =	sand.u32 $0x1, s3;
	s4 =	sshll.u32 s4, $0x6;
	s6 =	sadd.s32 $0x1E00, s0  }
0xa: {  	_ =	strace $0x80000047;
	s5 =	sshll.u32 s3, $0x5;
	s7 =	ssub.s32 $0x2, s3  }
0xb: {  	s3 =	sadd.s32 $0x2200, s0;
	[dreg:$0x7] =	wrdreg s26;
	s26 =	simm.s32 $0x8100  }
0xc: {  	s4 =	sor.u32 s5, s4;
	s21 =	sshrl.u32 s7, $0x1;
	s5 =	sadd.s32 $0x2400, s0  }
0xd: {  	s8 =	smul.u32 $0x300, s4;
	s7 =	ssub.s32 s7, s21;
	s22 =	sadd.s32 s6, s4  }
0xe: {  	s9 =	sor.u32 $0x10, s4;
	s4 =	sadd.s32 $0x2300, s0;
	s21 =	simm.s32 $0x5900  }
0xf: {  	[dreg:$0x3] =	wrdreg s22;
	s24 =	smul.u32 $0x300, s9;
	s6 =	sadd.s32 s6, s9  }
0x10: {  	s22 =	simm.s32 $0x6100;
	s23 =	sadd.s32 s1, s8;
	[dreg:$0x5] =	wrdreg s6  }
0x11: {  	v2 =	vlaneseq.u32;
	s6 =	smax.u32 s7, $0x1;
	s7 =	simm.s32 $0x2;
	[dreg:$0x4] =	wrdreg s23  }
0x12: {  	vm0 =	vmmov $0xffff;
	v1 =	vshrl.u32 v2, $0x3;
	s25 =	sadd.s32 s1, s24;
	s1 =	simm.s32 $0x1;
	s23 =	simm.s32 $0x6900  }
0x13: {  	v0 =	vand.u32 $0x7, v2;
	v2 =	vor.u32 $0x8, v2;
	v1 =	vmul.u32 $0x8, v1;
	s24 =	simm.s32 $0x7100;
	[dreg:$0x6] =	wrdreg s25;
	s25 =	simm.s32 $0x7900  }
.LBB2_1:
0x14: {  	s9 =	rddreg [dreg:$0x3]  }
0x15: {  	[tilespmem:s2], [sflag:$0x2] =	stream.linear.gather [hbm4b:s9+s2], $0x80, $0x38;
	[tilespmem:$0x18100] =	vst v63  }
0x16: {  	_ =	swait.ge [sflag:s7], $0x80  }
0x17: {  	[sflag:s7] =	ssyncset.done $0x0  }
0x18: {  	s0 =	simm.s32 $0x100;
	s8 =	rddreg [dreg:$0x4];
	[sflag:s7] =	ssyncadd.s32 $0xFFFFFF80  }
0x19: {  	[tilespmem:s0], [sflag:$0x2] =	stream.linear.gather [hbm4b:s8+s2], $0x18000, $0x38;
	[tilespmem:$0x18100] =	vst v63  }
0x1a: {  	_ =	swait.ge [sflag:s7], $0x18000  }
0x1b: {  	[sflag:s7] =	ssyncset.done $0x0  }
0x1c: {  	[sflag:s7] =	ssyncadd.s32 $0xFFFE8000  }
0x1d: {  	v3 =	vld [tilespmem:$0x0];
	_ =	sdelay $0x4  }
0x1e: {  	v4 =	vshrl.u32 v3, $0x3  }
0x1f: {  	v4 =	vmul.u32 $0x30, v4  }
0x20: {  	v3 =	vand.u32 $0x7, v3  }
0x21: {  	v3 =	vor.u32 v3, v4  }
0x22: {  	v4 =	vperm.xlane v3, v0;
	_ =	sdelay $0x1  }
0x23: {  	v4 =	vadd.s32 v1, v4;
	_ =	sdelay $0x3  }
0x24: {  	v3 =	vperm.xlane v3, v2  }
0x25: {  	[hbm4b:s3+s2] =	stream.indirect_vreg.scatter [tilespmem:s0], [sflag:$0x1], $0x80, v4, vm0, $0xb8;
	[tilespmem:$0x18100] =	vst v63  }
0x26: {  	v3 =	vadd.s32 v1, v3  }
0x27: {  	[hbm4b:s4+s2] =	stream.indirect_vreg.scatter [tilespmem:s11], [sflag:$0x1], $0x80, v4, vm0, $0xb8;
	[tilespmem:$0x18100] =	vst v63  }
0x28: {  	_ = 	snop  }
0x29: {  	[hbm4b:s5+s2] =	stream.indirect_vreg.scatter [tilespmem:s12], [sflag:$0x1], $0x80, v4, vm0, $0xb8;
	[tilespmem:$0x18100] =	vst v63  }
0x2a: {  	_ = 	snop  }
0x2b: {  	[hbm4b:s3+s2] =	stream.indirect_vreg.scatter [tilespmem:s13], [sflag:$0x1], $0x80, v3, vm0, $0xb8;
	[tilespmem:$0x18100] =	vst v63  }
0x2c: {  	_ = 	snop  }
0x2d: {  	[hbm4b:s4+s2] =	stream.indirect_vreg.scatter [tilespmem:s14], [sflag:$0x1], $0x80, v3, vm0, $0xb8;
	[tilespmem:$0x18100] =	vst v63  }
0x2e: {  	_ = 	snop  }
0x2f: {  	[hbm4b:s5+s2] =	stream.indirect_vreg.scatter [tilespmem:s15], [sflag:$0x1], $0x80, v3, vm0, $0xb8;
	[tilespmem:$0x18100] =	vst v63  }
0x30: {  	v3 =	vld [tilespmem:$0x10];
	_ =	sdelay $0x4  }
0x31: {  	v49 =	vshrl.u32 v3, $0x3  }
0x32: {  	v4 =	vmul.u32 $0x30, v49  }
0x33: {  	v3 =	vand.u32 $0x7, v3  }
0x34: {  	v3 =	vor.u32 v3, v4  }
0x35: {  	v4 =	vperm.xlane v3, v0;
	_ =	sdelay $0x1  }
0x36: {  	v4 =	vadd.s32 v1, v4;
	_ =	sdelay $0x3  }
0x37: {  	v3 =	vperm.xlane v3, v2  }
0x38: {  	[hbm4b:s3+s2] =	stream.indirect_vreg.scatter [tilespmem:s16], [sflag:$0x1], $0x80, v4, vm0, $0xb8;
	[tilespmem:$0x18100] =	vst v63  }
0x39: {  	v3 =	vadd.s32 v1, v3  }
0x3a: {  	[hbm4b:s4+s2] =	stream.indirect_vreg.scatter [tilespmem:s17], [sflag:$0x1], $0x80, v4, vm0, $0xb8;
	[tilespmem:$0x18100] =	vst v63  }
0x3b: {  	_ = 	snop  }
0x3c: {  	[hbm4b:s5+s2] =	stream.indirect_vreg.scatter [tilespmem:s18], [sflag:$0x1], $0x80, v4, vm0, $0xb8;
	[tilespmem:$0x18100] =	vst v63  }
0x3d: {  	_ = 	snop  }
0x3e: {  	[hbm4b:s3+s2] =	stream.indirect_vreg.scatter [tilespmem:s19], [sflag:$0x1], $0x80, v3, vm0, $0xb8;
	[tilespmem:$0x18100] =	vst v63  }
0x3f: {  	_ = 	snop  }
0x40: {  	[hbm4b:s4+s2] =	stream.indirect_vreg.scatter [tilespmem:s20], [sflag:$0x1], $0x80, v3, vm0, $0xb8;
	[tilespmem:$0x18100] =	vst v63  }
0x41: {  	_ = 	snop  }
0x42: {  	[hbm4b:s5+s2] =	stream.indirect_vreg.scatter [tilespmem:s21], [sflag:$0x1], $0x80, v3, vm0, $0xb8;
	[tilespmem:$0x18100] =	vst v63  }
0x43: {  	v3 =	vld [tilespmem:$0x20];
	_ =	sdelay $0x4  }
0x44: {  	v50 =	vshrl.u32 v3, $0x3  }
0x45: {  	v4 =	vmul.u32 $0x30, v50  }
0x46: {  	v3 =	vand.u32 $0x7, v3  }
0x47: {  	v3 =	vor.u32 v3, v4  }
0x48: {  	v4 =	vperm.xlane v3, v0;
	_ =	sdelay $0x1  }
0x49: {  	v4 =	vadd.s32 v1, v4;
	_ =	sdelay $0x3  }
0x4a: {  	v3 =	vperm.xlane v3, v2  }
0x4b: {  	[hbm4b:s3+s2] =	stream.indirect_vreg.scatter [tilespmem:s22], [sflag:$0x1], $0x80, v4, vm0, $0xb8;
	[tilespmem:$0x18100] =	vst v63  }
0x4c: {  	v3 =	vadd.s32 v1, v3  }
0x4d: {  	[hbm4b:s4+s2] =	stream.indirect_vreg.scatter [tilespmem:s23], [sflag:$0x1], $0x80, v4, vm0, $0xb8;
	[tilespmem:$0x18100] =	vst v63  }
0x4e: {  	_ = 	snop  }
0x4f: {  	[hbm4b:s5+s2] =	stream.indirect_vreg.scatter [tilespmem:s24], [sflag:$0x1], $0x80, v4, vm0, $0xb8;
	[tilespmem:$0x18100] =	vst v63  }
0x50: {  	_ = 	snop  }
0x51: {  	[hbm4b:s3+s2] =	stream.indirect_vreg.scatter [tilespmem:s25], [sflag:$0x1], $0x80, v3, vm0, $0xb8;
	[tilespmem:$0x18100] =	vst v63  }
0x52: {  	_ = 	snop  }
0x53: {  	[hbm4b:s4+s2] =	stream.indirect_vreg.scatter [tilespmem:s26], [sflag:$0x1], $0x80, v3, vm0, $0xb8;
	[tilespmem:$0x18100] =	vst v63  }
0x54: {  	_ = 	snop  }
0x55: {  	[hbm4b:s5+s2] =	stream.indirect_vreg.scatter [tilespmem:s28], [sflag:$0x1], $0x80, v3, vm0, $0xb8;
	[tilespmem:$0x18100] =	vst v63  }
0x56: {  	v3 =	vld [tilespmem:$0x30];
	_ =	sdelay $0x4  }
0x57: {  	v51 =	vshrl.u32 v3, $0x3  }
0x58: {  	v4 =	vmul.u32 $0x30, v51  }
0x59: {  	v3 =	vand.u32 $0x7, v3  }
0x5a: {  	v3 =	vor.u32 v3, v4  }
0x5b: {  	v4 =	vperm.xlane v3, v0;
	_ =	sdelay $0x1  }
0x5c: {  	v4 =	vadd.s32 v1, v4;
	_ =	sdelay $0x3  }
0x5d: {  	v3 =	vperm.xlane v3, v2  }
0x5e: {  	[hbm4b:s3+s2] =	stream.indirect_vreg.scatter [tilespmem:s29], [sflag:$0x1], $0x80, v4, vm0, $0xb8;
	[tilespmem:$0x18100] =	vst v63  }
0x5f: {  	v3 =	vadd.s32 v1, v3  }
0x60: {  	[hbm4b:s4+s2] =	stream.indirect_vreg.scatter [tilespmem:s30], [sflag:$0x1], $0x80, v4, vm0, $0xb8;
	[tilespmem:$0x18100] =	vst v63  }
0x61: {  	_ = 	snop  }
0x62: {  	[hbm4b:s5+s2] =	stream.indirect_vreg.scatter [tilespmem:s31], [sflag:$0x1], $0x80, v4, vm0, $0xb8;
	[tilespmem:$0x18100] =	vst v63  }
0x63: {  	s8 =	simm.s32 $0xA900  }
0x64: {  	[hbm4b:s3+s2] =	stream.indirect_vreg.scatter [tilespmem:s8], [sflag:$0x1], $0x80, v3, vm0, $0xb8;
	[tilespmem:$0x18100] =	vst v63  }
0x65: {  	s8 =	simm.s32 $0xB100  }
0x66: {  	[hbm4b:s4+s2] =	stream.indirect_vreg.scatter [tilespmem:s8], [sflag:$0x1], $0x80, v3, vm0, $0xb8;
	[tilespmem:$0x18100] =	vst v63  }
0x67: {  	s10 =	simm.s32 $0xB900  }
0x68: {  	[hbm4b:s5+s2] =	stream.indirect_vreg.scatter [tilespmem:s10], [sflag:$0x1], $0x80, v3, vm0, $0xb8;
	[tilespmem:$0x18100] =	vst v63  }
0x69: {  	v3 =	vld [tilespmem:$0x40];
	_ =	sdelay $0x4  }
0x6a: {  	v52 =	vshrl.u32 v3, $0x3  }
0x6b: {  	v4 =	vmul.u32 $0x30, v52  }
0x6c: {  	v3 =	vand.u32 $0x7, v3  }
0x6d: {  	v3 =	vor.u32 v3, v4  }
0x6e: {  	v4 =	vperm.xlane v3, v0;
	_ =	sdelay $0x1  }
0x6f: {  	v4 =	vadd.s32 v1, v4;
	_ =	sdelay $0x3  }
0x70: {  	s10 =	simm.s32 $0xC100;
	v3 =	vperm.xlane v3, v2  }
0x71: {  	[hbm4b:s3+s2] =	stream.indirect_vreg.scatter [tilespmem:s10], [sflag:$0x1], $0x80, v4, vm0, $0xb8;
	[tilespmem:$0x18100] =	vst v63  }
0x72: {  	v3 =	vadd.s32 v1, v3;
	s10 =	simm.s32 $0xC900  }
0x73: {  	[hbm4b:s4+s2] =	stream.indirect_vreg.scatter [tilespmem:s10], [sflag:$0x1], $0x80, v4, vm0, $0xb8;
	[tilespmem:$0x18100] =	vst v63  }
0x74: {  	s10 =	simm.s32 $0xD100  }
0x75: {  	[hbm4b:s5+s2] =	stream.indirect_vreg.scatter [tilespmem:s10], [sflag:$0x1], $0x80, v4, vm0, $0xb8;
	[tilespmem:$0x18100] =	vst v63  }
0x76: {  	s10 =	simm.s32 $0xD900  }
0x77: {  	[hbm4b:s3+s2] =	stream.indirect_vreg.scatter [tilespmem:s10], [sflag:$0x1], $0x80, v3, vm0, $0xb8;
	[tilespmem:$0x18100] =	vst v63  }
0x78: {  	s10 =	simm.s32 $0xE100  }
0x79: {  	[hbm4b:s4+s2] =	stream.indirect_vreg.scatter [tilespmem:s10], [sflag:$0x1], $0x80, v3, vm0, $0xb8;
	[tilespmem:$0x18100] =	vst v63  }
0x7a: {  	s10 =	simm.s32 $0xE900  }
0x7b: {  	[hbm4b:s5+s2] =	stream.indirect_vreg.scatter [tilespmem:s10], [sflag:$0x1], $0x80, v3, vm0, $0xb8;
	[tilespmem:$0x18100] =	vst v63  }
0x7c: {  	v3 =	vld [tilespmem:$0x50];
	_ =	sdelay $0x4  }
0x7d: {  	v53 =	vshrl.u32 v3, $0x3  }
0x7e: {  	v4 =	vmul.u32 $0x30, v53  }
0x7f: {  	v3 =	vand.u32 $0x7, v3  }
0x80: {  	v3 =	vor.u32 v3, v4  }
0x81: {  	v4 =	vperm.xlane v3, v0;
	_ =	sdelay $0x1  }
0x82: {  	v4 =	vadd.s32 v1, v4;
	_ =	sdelay $0x3  }
0x83: {  	s10 =	simm.s32 $0xF100;
	v3 =	vperm.xlane v3, v2  }
0x84: {  	[hbm4b:s3+s2] =	stream.indirect_vreg.scatter [tilespmem:s10], [sflag:$0x1], $0x80, v4, vm0, $0xb8;
	[tilespmem:$0x18100] =	vst v63  }
0x85: {  	v3 =	vadd.s32 v1, v3;
	s10 =	simm.s32 $0xF900  }
0x86: {  	[hbm4b:s4+s2] =	stream.indirect_vreg.scatter [tilespmem:s10], [sflag:$0x1], $0x80, v4, vm0, $0xb8;
	[tilespmem:$0x18100] =	vst v63  }
0x87: {  	s10 =	simm.s32 $0x10100  }
0x88: {  	[hbm4b:s5+s2] =	stream.indirect_vreg.scatter [tilespmem:s10], [sflag:$0x1], $0x80, v4, vm0, $0xb8;
	[tilespmem:$0x18100] =	vst v63  }
0x89: {  	s10 =	simm.s32 $0x10900  }
0x8a: {  	[hbm4b:s3+s2] =	stream.indirect_vreg.scatter [tilespmem:s10], [sflag:$0x1], $0x80, v3, vm0, $0xb8;
	[tilespmem:$0x18100] =	vst v63  }
0x8b: {  	s10 =	simm.s32 $0x11100  }
0x8c: {  	[hbm4b:s4+s2] =	stream.indirect_vreg.scatter [tilespmem:s10], [sflag:$0x1], $0x80, v3, vm0, $0xb8;
	[tilespmem:$0x18100] =	vst v63  }
0x8d: {  	s10 =	simm.s32 $0x11900  }
0x8e: {  	[hbm4b:s5+s2] =	stream.indirect_vreg.scatter [tilespmem:s10], [sflag:$0x1], $0x80, v3, vm0, $0xb8;
	[tilespmem:$0x18100] =	vst v63  }
0x8f: {  	v3 =	vld [tilespmem:$0x60];
	_ =	sdelay $0x4  }
0x90: {  	v54 =	vshrl.u32 v3, $0x3  }
0x91: {  	v4 =	vmul.u32 $0x30, v54  }
0x92: {  	v3 =	vand.u32 $0x7, v3  }
0x93: {  	v3 =	vor.u32 v3, v4  }
0x94: {  	v4 =	vperm.xlane v3, v0;
	_ =	sdelay $0x1  }
0x95: {  	v4 =	vadd.s32 v1, v4;
	_ =	sdelay $0x3  }
0x96: {  	s10 =	simm.s32 $0x12100;
	v3 =	vperm.xlane v3, v2  }
0x97: {  	[hbm4b:s3+s2] =	stream.indirect_vreg.scatter [tilespmem:s10], [sflag:$0x1], $0x80, v4, vm0, $0xb8;
	[tilespmem:$0x18100] =	vst v63  }
0x98: {  	v3 =	vadd.s32 v1, v3;
	s10 =	simm.s32 $0x12900  }
0x99: {  	[hbm4b:s4+s2] =	stream.indirect_vreg.scatter [tilespmem:s10], [sflag:$0x1], $0x80, v4, vm0, $0xb8;
	[tilespmem:$0x18100] =	vst v63  }
0x9a: {  	s10 =	simm.s32 $0x13100  }
0x9b: {  	[hbm4b:s5+s2] =	stream.indirect_vreg.scatter [tilespmem:s10], [sflag:$0x1], $0x80, v4, vm0, $0xb8;
	[tilespmem:$0x18100] =	vst v63  }
0x9c: {  	s10 =	simm.s32 $0x13900  }
0x9d: {  	[hbm4b:s3+s2] =	stream.indirect_vreg.scatter [tilespmem:s10], [sflag:$0x1], $0x80, v3, vm0, $0xb8;
	[tilespmem:$0x18100] =	vst v63  }
0x9e: {  	s10 =	simm.s32 $0x14100  }
0x9f: {  	[hbm4b:s4+s2] =	stream.indirect_vreg.scatter [tilespmem:s10], [sflag:$0x1], $0x80, v3, vm0, $0xb8;
	[tilespmem:$0x18100] =	vst v63  }
0xa0: {  	s10 =	simm.s32 $0x14900  }
0xa1: {  	[hbm4b:s5+s2] =	stream.indirect_vreg.scatter [tilespmem:s10], [sflag:$0x1], $0x80, v3, vm0, $0xb8;
	[tilespmem:$0x18100] =	vst v63  }
0xa2: {  	v3 =	vld [tilespmem:$0x70];
	_ =	sdelay $0x4  }
0xa3: {  	v55 =	vshrl.u32 v3, $0x3  }
0xa4: {  	v4 =	vmul.u32 $0x30, v55  }
0xa5: {  	v3 =	vand.u32 $0x7, v3  }
0xa6: {  	v3 =	vor.u32 v3, v4  }
0xa7: {  	v4 =	vperm.xlane v3, v0;
	_ =	sdelay $0x1  }
0xa8: {  	v4 =	vadd.s32 v1, v4;
	_ =	sdelay $0x3  }
0xa9: {  	s10 =	simm.s32 $0x15100;
	v3 =	vperm.xlane v3, v2  }
0xaa: {  	[hbm4b:s3+s2] =	stream.indirect_vreg.scatter [tilespmem:s10], [sflag:$0x1], $0x80, v4, vm0, $0xb8;
	[tilespmem:$0x18100] =	vst v63  }
0xab: {  	v3 =	vadd.s32 v1, v3;
	s10 =	simm.s32 $0x15900  }
0xac: {  	[hbm4b:s4+s2] =	stream.indirect_vreg.scatter [tilespmem:s10], [sflag:$0x1], $0x80, v4, vm0, $0xb8;
	[tilespmem:$0x18100] =	vst v63  }
0xad: {  	s10 =	simm.s32 $0x16100  }
0xae: {  	[hbm4b:s5+s2] =	stream.indirect_vreg.scatter [tilespmem:s10], [sflag:$0x1], $0x80, v4, vm0, $0xb8;
	[tilespmem:$0x18100] =	vst v63  }
0xaf: {  	s10 =	simm.s32 $0x16900  }
0xb0: {  	[hbm4b:s3+s2] =	stream.indirect_vreg.scatter [tilespmem:s10], [sflag:$0x1], $0x80, v3, vm0, $0xb8;
	[tilespmem:$0x18100] =	vst v63  }
0xb1: {  	s10 =	simm.s32 $0x17100  }
0xb2: {  	[hbm4b:s4+s2] =	stream.indirect_vreg.scatter [tilespmem:s10], [sflag:$0x1], $0x80, v3, vm0, $0xb8;
	[tilespmem:$0x18100] =	vst v63  }
0xb3: {  	s10 =	simm.s32 $0x17900  }
0xb4: {  	[hbm4b:s5+s2] =	stream.indirect_vreg.scatter [tilespmem:s10], [sflag:$0x1], $0x80, v3, vm0, $0xb8;
	[tilespmem:$0x18100] =	vst v63  }
0xb5: {  	_ =	swait.ge [sflag:s1], $0x18000  }
0xb6: {  	s9 =	rddreg [dreg:$0x5];
	[sflag:s1] =	ssyncset.done $0x0  }
0xb7: {  	s10 =	rddreg [dreg:$0x7];
	[sflag:s1] =	ssyncadd.s32 $0xFFFE8000  }
0xb8: {  	[tilespmem:s10], [sflag:$0x2] =	stream.linear.gather [hbm4b:s9+s2], $0x80, $0x38;
	[tilespmem:$0x18100] =	vst v63  }
0xb9: {  	_ =	swait.ge [sflag:s7], $0x80  }
0xba: {  	[sflag:s7] =	ssyncset.done $0x0  }
0xbb: {  	s10 =	rddreg [dreg:$0x6];
	[sflag:s7] =	ssyncadd.s32 $0xFFFFFF80  }
0xbc: {  	[tilespmem:s0], [sflag:$0x2] =	stream.linear.gather [hbm4b:s10+s2], $0x18000, $0x38;
	[tilespmem:$0x18100] =	vst v63  }
0xbd: {  	_ =	swait.ge [sflag:s7], $0x18000  }
0xbe: {  	[sflag:s7] =	ssyncset.done $0x0  }
0xbf: {  	[sflag:s7] =	ssyncadd.s32 $0xFFFE8000  }
0xc0: {  	v3 =	vld [tilespmem:$0x80];
	_ =	sdelay $0x4  }
0xc1: {  	v56 =	vshrl.u32 v3, $0x3  }
0xc2: {  	v4 =	vmul.u32 $0x30, v56  }
0xc3: {  	v3 =	vand.u32 $0x7, v3  }
0xc4: {  	v3 =	vor.u32 v3, v4  }
0xc5: {  	v4 =	vperm.xlane v3, v0;
	_ =	sdelay $0x1  }
0xc6: {  	v4 =	vadd.s32 v1, v4;
	_ =	sdelay $0x3  }
0xc7: {  	v3 =	vperm.xlane v3, v2  }
0xc8: {  	[hbm4b:s3+s2] =	stream.indirect_vreg.scatter [tilespmem:s0], [sflag:$0x1], $0x80, v4, vm0, $0xb8;
	[tilespmem:$0x18100] =	vst v63  }
0xc9: {  	v3 =	vadd.s32 v1, v3  }
0xca: {  	[hbm4b:s4+s2] =	stream.indirect_vreg.scatter [tilespmem:s11], [sflag:$0x1], $0x80, v4, vm0, $0xb8;
	[tilespmem:$0x18100] =	vst v63  }
0xcb: {  	_ = 	snop  }
0xcc: {  	[hbm4b:s5+s2] =	stream.indirect_vreg.scatter [tilespmem:s12], [sflag:$0x1], $0x80, v4, vm0, $0xb8;
	[tilespmem:$0x18100] =	vst v63  }
0xcd: {  	_ = 	snop  }
0xce: {  	[hbm4b:s3+s2] =	stream.indirect_vreg.scatter [tilespmem:s13], [sflag:$0x1], $0x80, v3, vm0, $0xb8;
	[tilespmem:$0x18100] =	vst v63  }
0xcf: {  	_ = 	snop  }
0xd0: {  	[hbm4b:s4+s2] =	stream.indirect_vreg.scatter [tilespmem:s14], [sflag:$0x1], $0x80, v3, vm0, $0xb8;
	[tilespmem:$0x18100] =	vst v63  }
0xd1: {  	_ = 	snop  }
0xd2: {  	[hbm4b:s5+s2] =	stream.indirect_vreg.scatter [tilespmem:s15], [sflag:$0x1], $0x80, v3, vm0, $0xb8;
	[tilespmem:$0x18100] =	vst v63  }
0xd3: {  	v3 =	vld [tilespmem:$0x90];
	_ =	sdelay $0x4  }
0xd4: {  	v57 =	vshrl.u32 v3, $0x3  }
0xd5: {  	v4 =	vmul.u32 $0x30, v57  }
0xd6: {  	v3 =	vand.u32 $0x7, v3  }
0xd7: {  	v3 =	vor.u32 v3, v4  }
0xd8: {  	v4 =	vperm.xlane v3, v0;
	_ =	sdelay $0x1  }
0xd9: {  	v4 =	vadd.s32 v1, v4;
	_ =	sdelay $0x3  }
0xda: {  	v3 =	vperm.xlane v3, v2  }
0xdb: {  	[hbm4b:s3+s2] =	stream.indirect_vreg.scatter [tilespmem:s16], [sflag:$0x1], $0x80, v4, vm0, $0xb8;
	[tilespmem:$0x18100] =	vst v63  }
0xdc: {  	v3 =	vadd.s32 v1, v3  }
0xdd: {  	[hbm4b:s4+s2] =	stream.indirect_vreg.scatter [tilespmem:s17], [sflag:$0x1], $0x80, v4, vm0, $0xb8;
	[tilespmem:$0x18100] =	vst v63  }
0xde: {  	_ = 	snop  }
0xdf: {  	[hbm4b:s5+s2] =	stream.indirect_vreg.scatter [tilespmem:s18], [sflag:$0x1], $0x80, v4, vm0, $0xb8;
	[tilespmem:$0x18100] =	vst v63  }
0xe0: {  	_ = 	snop  }
0xe1: {  	[hbm4b:s3+s2] =	stream.indirect_vreg.scatter [tilespmem:s19], [sflag:$0x1], $0x80, v3, vm0, $0xb8;
	[tilespmem:$0x18100] =	vst v63  }
0xe2: {  	_ = 	snop  }
0xe3: {  	[hbm4b:s4+s2] =	stream.indirect_vreg.scatter [tilespmem:s20], [sflag:$0x1], $0x80, v3, vm0, $0xb8;
	[tilespmem:$0x18100] =	vst v63  }
0xe4: {  	_ = 	snop  }
0xe5: {  	[hbm4b:s5+s2] =	stream.indirect_vreg.scatter [tilespmem:s21], [sflag:$0x1], $0x80, v3, vm0, $0xb8;
	[tilespmem:$0x18100] =	vst v63  }
0xe6: {  	v3 =	vld [tilespmem:$0xA0];
	_ =	sdelay $0x4  }
0xe7: {  	v58 =	vshrl.u32 v3, $0x3  }
0xe8: {  	v4 =	vmul.u32 $0x30, v58  }
0xe9: {  	v3 =	vand.u32 $0x7, v3  }
0xea: {  	v3 =	vor.u32 v3, v4  }
0xeb: {  	v4 =	vperm.xlane v3, v0;
	_ =	sdelay $0x1  }
0xec: {  	v4 =	vadd.s32 v1, v4;
	_ =	sdelay $0x3  }
0xed: {  	v3 =	vperm.xlane v3, v2  }
0xee: {  	[hbm4b:s3+s2] =	stream.indirect_vreg.scatter [tilespmem:s22], [sflag:$0x1], $0x80, v4, vm0, $0xb8;
	[tilespmem:$0x18100] =	vst v63  }
0xef: {  	v3 =	vadd.s32 v1, v3  }
0xf0: {  	[hbm4b:s4+s2] =	stream.indirect_vreg.scatter [tilespmem:s23], [sflag:$0x1], $0x80, v4, vm0, $0xb8;
	[tilespmem:$0x18100] =	vst v63  }
0xf1: {  	_ = 	snop  }
0xf2: {  	[hbm4b:s5+s2] =	stream.indirect_vreg.scatter [tilespmem:s24], [sflag:$0x1], $0x80, v4, vm0, $0xb8;
	[tilespmem:$0x18100] =	vst v63  }
0xf3: {  	_ = 	snop  }
0xf4: {  	[hbm4b:s3+s2] =	stream.indirect_vreg.scatter [tilespmem:s25], [sflag:$0x1], $0x80, v3, vm0, $0xb8;
	[tilespmem:$0x18100] =	vst v63  }
0xf5: {  	_ = 	snop  }
0xf6: {  	[hbm4b:s4+s2] =	stream.indirect_vreg.scatter [tilespmem:s26], [sflag:$0x1], $0x80, v3, vm0, $0xb8;
	[tilespmem:$0x18100] =	vst v63  }
0xf7: {  	_ = 	snop  }
0xf8: {  	[hbm4b:s5+s2] =	stream.indirect_vreg.scatter [tilespmem:s28], [sflag:$0x1], $0x80, v3, vm0, $0xb8;
	[tilespmem:$0x18100] =	vst v63  }
0xf9: {  	v3 =	vld [tilespmem:$0xB0];
	_ =	sdelay $0x4  }
0xfa: {  	v59 =	vshrl.u32 v3, $0x3  }
0xfb: {  	v4 =	vmul.u32 $0x30, v59  }
0xfc: {  	v3 =	vand.u32 $0x7, v3  }
0xfd: {  	v3 =	vor.u32 v3, v4  }
0xfe: {  	v4 =	vperm.xlane v3, v0;
	_ =	sdelay $0x1  }
0xff: {  	v4 =	vadd.s32 v1, v4;
	_ =	sdelay $0x3  }
0x100: {  	v3 =	vperm.xlane v3, v2  }
0x101: {  	[hbm4b:s3+s2] =	stream.indirect_vreg.scatter [tilespmem:s29], [sflag:$0x1], $0x80, v4, vm0, $0xb8;
	[tilespmem:$0x18100] =	vst v63  }
0x102: {  	v3 =	vadd.s32 v1, v3  }
0x103: {  	[hbm4b:s4+s2] =	stream.indirect_vreg.scatter [tilespmem:s30], [sflag:$0x1], $0x80, v4, vm0, $0xb8;
	[tilespmem:$0x18100] =	vst v63  }
0x104: {  	_ = 	snop  }
0x105: {  	[hbm4b:s5+s2] =	stream.indirect_vreg.scatter [tilespmem:s31], [sflag:$0x1], $0x80, v4, vm0, $0xb8;
	[tilespmem:$0x18100] =	vst v63  }
0x106: {  	s9 =	simm.s32 $0xA900  }
0x107: {  	[hbm4b:s3+s2] =	stream.indirect_vreg.scatter [tilespmem:s9], [sflag:$0x1], $0x80, v3, vm0, $0xb8;
	[tilespmem:$0x18100] =	vst v63  }
0x108: {  	_ = 	snop  }
0x109: {  	[hbm4b:s4+s2] =	stream.indirect_vreg.scatter [tilespmem:s8], [sflag:$0x1], $0x80, v3, vm0, $0xb8;
	[tilespmem:$0x18100] =	vst v63  }
0x10a: {  	s10 =	simm.s32 $0xB900  }
0x10b: {  	[hbm4b:s5+s2] =	stream.indirect_vreg.scatter [tilespmem:s10], [sflag:$0x1], $0x80, v3, vm0, $0xb8;
	[tilespmem:$0x18100] =	vst v63  }
0x10c: {  	v3 =	vld [tilespmem:$0xC0];
	_ =	sdelay $0x4  }
0x10d: {  	v60 =	vshrl.u32 v3, $0x3  }
0x10e: {  	v4 =	vmul.u32 $0x30, v60  }
0x10f: {  	v3 =	vand.u32 $0x7, v3  }
0x110: {  	v3 =	vor.u32 v3, v4  }
0x111: {  	v4 =	vperm.xlane v3, v0;
	_ =	sdelay $0x1  }
0x112: {  	v4 =	vadd.s32 v1, v4;
	_ =	sdelay $0x3  }
0x113: {  	s8 =	simm.s32 $0xC100;
	v3 =	vperm.xlane v3, v2  }
0x114: {  	[hbm4b:s3+s2] =	stream.indirect_vreg.scatter [tilespmem:s8], [sflag:$0x1], $0x80, v4, vm0, $0xb8;
	[tilespmem:$0x18100] =	vst v63  }
0x115: {  	s9 =	simm.s32 $0xC900;
	v3 =	vadd.s32 v1, v3  }
0x116: {  	[hbm4b:s4+s2] =	stream.indirect_vreg.scatter [tilespmem:s9], [sflag:$0x1], $0x80, v4, vm0, $0xb8;
	[tilespmem:$0x18100] =	vst v63  }
0x117: {  	s10 =	simm.s32 $0xD100  }
0x118: {  	[hbm4b:s5+s2] =	stream.indirect_vreg.scatter [tilespmem:s10], [sflag:$0x1], $0x80, v4, vm0, $0xb8;
	[tilespmem:$0x18100] =	vst v63  }
0x119: {  	s8 =	simm.s32 $0xD900  }
0x11a: {  	[hbm4b:s3+s2] =	stream.indirect_vreg.scatter [tilespmem:s8], [sflag:$0x1], $0x80, v3, vm0, $0xb8;
	[tilespmem:$0x18100] =	vst v63  }
0x11b: {  	s9 =	simm.s32 $0xE100  }
0x11c: {  	[hbm4b:s4+s2] =	stream.indirect_vreg.scatter [tilespmem:s9], [sflag:$0x1], $0x80, v3, vm0, $0xb8;
	[tilespmem:$0x18100] =	vst v63  }
0x11d: {  	s10 =	simm.s32 $0xE900  }
0x11e: {  	[hbm4b:s5+s2] =	stream.indirect_vreg.scatter [tilespmem:s10], [sflag:$0x1], $0x80, v3, vm0, $0xb8;
	[tilespmem:$0x18100] =	vst v63  }
0x11f: {  	v3 =	vld [tilespmem:$0xD0];
	_ =	sdelay $0x4  }
0x120: {  	v61 =	vshrl.u32 v3, $0x3  }
0x121: {  	v4 =	vmul.u32 $0x30, v61  }
0x122: {  	v3 =	vand.u32 $0x7, v3  }
0x123: {  	v3 =	vor.u32 v3, v4  }
0x124: {  	v4 =	vperm.xlane v3, v0;
	_ =	sdelay $0x1  }
0x125: {  	v4 =	vadd.s32 v1, v4;
	_ =	sdelay $0x3  }
0x126: {  	s8 =	simm.s32 $0xF100;
	v3 =	vperm.xlane v3, v2  }
0x127: {  	[hbm4b:s3+s2] =	stream.indirect_vreg.scatter [tilespmem:s8], [sflag:$0x1], $0x80, v4, vm0, $0xb8;
	[tilespmem:$0x18100] =	vst v63  }
0x128: {  	s9 =	simm.s32 $0xF900;
	v3 =	vadd.s32 v1, v3  }
0x129: {  	[hbm4b:s4+s2] =	stream.indirect_vreg.scatter [tilespmem:s9], [sflag:$0x1], $0x80, v4, vm0, $0xb8;
	[tilespmem:$0x18100] =	vst v63  }
0x12a: {  	s10 =	simm.s32 $0x10100  }
0x12b: {  	[hbm4b:s5+s2] =	stream.indirect_vreg.scatter [tilespmem:s10], [sflag:$0x1], $0x80, v4, vm0, $0xb8;
	[tilespmem:$0x18100] =	vst v63  }
0x12c: {  	s8 =	simm.s32 $0x10900  }
0x12d: {  	[hbm4b:s3+s2] =	stream.indirect_vreg.scatter [tilespmem:s8], [sflag:$0x1], $0x80, v3, vm0, $0xb8;
	[tilespmem:$0x18100] =	vst v63  }
0x12e: {  	s9 =	simm.s32 $0x11100  }
0x12f: {  	[hbm4b:s4+s2] =	stream.indirect_vreg.scatter [tilespmem:s9], [sflag:$0x1], $0x80, v3, vm0, $0xb8;
	[tilespmem:$0x18100] =	vst v63  }
0x130: {  	s10 =	simm.s32 $0x11900  }
0x131: {  	[hbm4b:s5+s2] =	stream.indirect_vreg.scatter [tilespmem:s10], [sflag:$0x1], $0x80, v3, vm0, $0xb8;
	[tilespmem:$0x18100] =	vst v63  }
0x132: {  	v3 =	vld [tilespmem:$0xE0];
	_ =	sdelay $0x4  }
0x133: {  	v62 =	vshrl.u32 v3, $0x3  }
0x134: {  	v4 =	vmul.u32 $0x30, v62  }
0x135: {  	v3 =	vand.u32 $0x7, v3  }
0x136: {  	v3 =	vor.u32 v3, v4  }
0x137: {  	v4 =	vperm.xlane v3, v0;
	_ =	sdelay $0x1  }
0x138: {  	v4 =	vadd.s32 v1, v4;
	_ =	sdelay $0x3  }
0x139: {  	s8 =	simm.s32 $0x12100;
	v3 =	vperm.xlane v3, v2  }
0x13a: {  	[hbm4b:s3+s2] =	stream.indirect_vreg.scatter [tilespmem:s8], [sflag:$0x1], $0x80, v4, vm0, $0xb8;
	[tilespmem:$0x18100] =	vst v63  }
0x13b: {  	s9 =	simm.s32 $0x12900;
	v3 =	vadd.s32 v1, v3  }
0x13c: {  	[hbm4b:s4+s2] =	stream.indirect_vreg.scatter [tilespmem:s9], [sflag:$0x1], $0x80, v4, vm0, $0xb8;
	[tilespmem:$0x18100] =	vst v63  }
0x13d: {  	s10 =	simm.s32 $0x13100  }
0x13e: {  	[hbm4b:s5+s2] =	stream.indirect_vreg.scatter [tilespmem:s10], [sflag:$0x1], $0x80, v4, vm0, $0xb8;
	[tilespmem:$0x18100] =	vst v63  }
0x13f: {  	s8 =	simm.s32 $0x13900  }
0x140: {  	[hbm4b:s3+s2] =	stream.indirect_vreg.scatter [tilespmem:s8], [sflag:$0x1], $0x80, v3, vm0, $0xb8;
	[tilespmem:$0x18100] =	vst v63  }
0x141: {  	s9 =	simm.s32 $0x14100  }
0x142: {  	[hbm4b:s4+s2] =	stream.indirect_vreg.scatter [tilespmem:s9], [sflag:$0x1], $0x80, v3, vm0, $0xb8;
	[tilespmem:$0x18100] =	vst v63  }
0x143: {  	s10 =	simm.s32 $0x14900  }
0x144: {  	[hbm4b:s5+s2] =	stream.indirect_vreg.scatter [tilespmem:s10], [sflag:$0x1], $0x80, v3, vm0, $0xb8;
	[tilespmem:$0x18100] =	vst v63  }
0x145: {  	v3 =	vld [tilespmem:$0xF0];
	_ =	sdelay $0x4  }
0x146: {  	v63 =	vshrl.u32 v3, $0x3  }
0x147: {  	v4 =	vmul.u32 $0x30, v63  }
0x148: {  	v3 =	vand.u32 $0x7, v3  }
0x149: {  	v3 =	vor.u32 v3, v4  }
0x14a: {  	v4 =	vperm.xlane v3, v0;
	_ =	sdelay $0x1  }
0x14b: {  	v4 =	vadd.s32 v1, v4;
	_ =	sdelay $0x3  }
0x14c: {  	s8 =	simm.s32 $0x15100;
	v3 =	vperm.xlane v3, v2  }
0x14d: {  	[hbm4b:s3+s2] =	stream.indirect_vreg.scatter [tilespmem:s8], [sflag:$0x1], $0x80, v4, vm0, $0xb8;
	[tilespmem:$0x18100] =	vst v63  }
0x14e: {  	s9 =	simm.s32 $0x15900;
	v3 =	vadd.s32 v1, v3  }
0x14f: {  	[hbm4b:s4+s2] =	stream.indirect_vreg.scatter [tilespmem:s9], [sflag:$0x1], $0x80, v4, vm0, $0xb8;
	[tilespmem:$0x18100] =	vst v63  }
0x150: {  	s10 =	simm.s32 $0x16100  }
0x151: {  	[hbm4b:s5+s2] =	stream.indirect_vreg.scatter [tilespmem:s10], [sflag:$0x1], $0x80, v4, vm0, $0xb8;
	[tilespmem:$0x18100] =	vst v63  }
0x152: {  	s8 =	simm.s32 $0x16900  }
0x153: {  	[hbm4b:s3+s2] =	stream.indirect_vreg.scatter [tilespmem:s8], [sflag:$0x1], $0x80, v3, vm0, $0xb8;
	[tilespmem:$0x18100] =	vst v63  }
0x154: {  	p0 =	sne.s32 s6, $0x1;
	s9 =	simm.s32 $0x17100  }
0x155: {  	[hbm4b:s4+s2] =	stream.indirect_vreg.scatter [tilespmem:s9], [sflag:$0x1], $0x80, v3, vm0, $0xb8;
	[tilespmem:$0x18100] =	vst v63  }
.Ltmp0:
0x156: {  	s10 =	simm.s32 $0x17900;
	(pc) =	sbr.rel @p0 .LBB2_1-.Ltmp0, $4  }
0x157: {  	[hbm4b:s5+s2] =	stream.indirect_vreg.scatter [tilespmem:s10], [sflag:$0x1], $0x80, v3, vm0, $0xb8;
	[tilespmem:$0x18100] =	vst v63  }
0x158: {  	_ =	swait.ge [sflag:s1], $0x18000  }
0x159: {  	[sflag:s1] =	ssyncset.done $0x0  }
0x15a: {  	s6 =	sadd.s32 $0xFFFFFFFF, s6;
	[sflag:s1] =	ssyncadd.s32 $0xFFFE8000  }
0x15b: {  	_ =	sfence.sel $0x180000  }
0x15c: {  	[bflag:$0x0] =	sbarrier.arrive $0xFFFF  }
0x15d: {  	_ =	strace $0x90000047  }
0x15e: {  	s0 =	stileid.u32;
	[bflag:$0x2] =	sbarrier.arrive $0xFFFF  }
0x15f: {  	p0 =	sne.s32 s0, $0x0;
	s0 =	rddreg [dreg:$0x2]  }
0x160: {  	s0 =	sadd.s32 @!p0 $0x100000, s0  }
0x161: {  	[sflag:s0] =	ssyncadd.tile.s32 @!p0 $0x1;
	_ =	shalt  }
.Lfunc_end2:
_tile_overlayer_lowered:
.L_overlay_start_2:
0x162: {  	(tag) =	ssettag $0x2  }
0x163: {  	s0 =	rddreg [dreg:$0x0];
	s2 =	stileid.u32  }
0x164: {  	s1 =	rddreg [dreg:$0x1];
	p0 =	sne.s32 s2, $0x0  }
0x165: {  	s3 =	rddreg [dreg:$0x2];
	[bflag:$0x3] =	sbarrier.arrive $0xFFFF;
	s2 =	simm.s32 @!p0 $0x1C02  }
0x166: {  	[timem:s3], [sflag:s2] =	dma.local @!p0 [hbm:s0], s1  }
0x167: {  	s0 =	simm.s32 @!p0 $0x2  }
0x168: {  	_ =	swait.ge @!p0 [sflag:s0], s1  }
0x169: {  	s1 =	ssub.s32 @!p0 $0x0, s1;
	[sflag:s0] =	ssyncset.done @!p0 $0x0  }
0x16a: {  	[sflag:s0] =	ssyncadd.s32 @!p0 s1  }
0x16b: {  	[bflag:$0x3] =	sbarrier.arrive $0xFFFF  }
0x16c: {  	_ =	shalt  }

</sc_bundles>
